<compile_context>
chip_gen: v7x
topology: tpu7x:2x2x1
jax: 0.10.2.dev20260603
libtpu: 0.0.44.dev20260713+nightly
codegen_flags: <defaults>
</compile_context>

<pallas_src>
import functools

import jax
import jax.numpy as jnp
from jax import lax
from jax.experimental import pallas as pl
from jax.experimental.pallas import tpu as pltpu
from jax.experimental.pallas import tpu_sc as plsc

_INFO = plsc.get_sparse_core_info()
_NC, _NS = _INFO.num_cores, _INFO.num_subcores
_NW = _NC * _NS

_IDX_W = 128
_K = 4


@functools.partial(jax.jit, static_argnums=(2, 3))
def _gather_rows(table, idx2d, rows, d):
    rows_per_w = rows // _NW
    groups = rows_per_w // _K
    mesh = plsc.VectorSubcoreMesh(core_axis_name="c", subcore_axis_name="s")

    @functools.partial(
        pl.kernel,
        mesh=mesh,
        out_type=jax.ShapeDtypeStruct((rows, _IDX_W, d), jnp.float32),
        scratch_types=[
            pltpu.VMEM((2, _K, _IDX_W), jnp.int32),
            pltpu.VMEM((2, _K, _IDX_W, d), jnp.float32),
            pltpu.SemaphoreType.DMA((2,)),
            pltpu.SemaphoreType.DMA((2,)),
            pltpu.SemaphoreType.DMA((2,)),
        ],
        compiler_params=pltpu.CompilerParams(use_tc_tiling_on_sc=False),
    )
    def k(table_hbm, idx_hbm, out_hbm, idx_v, rows_v, isem, gsem, osem):
        wid = lax.axis_index("s") * _NC + lax.axis_index("c")
        base = wid * rows_per_w

        def i_issue(g, slot):
            pltpu.async_copy(idx_hbm.at[pl.ds(base + g * _K, _K)],
                             idx_v.at[slot], isem.at[slot])

        def i_wait(g, slot):
            pltpu.make_async_copy(idx_hbm.at[pl.ds(base + g * _K, _K)],
                                  idx_v.at[slot], isem.at[slot]).wait()

        def g_issue(slot):
            return [
                pltpu.async_copy(table_hbm.at[idx_v.at[slot, j]],
                                 rows_v.at[slot, j], gsem.at[slot])
                for j in range(_K)
            ]

        def o_issue(g, slot):
            pltpu.async_copy(rows_v.at[slot],
                             out_hbm.at[pl.ds(base + g * _K, _K)],
                             osem.at[slot])

        def o_wait(g, slot):
            pltpu.make_async_copy(rows_v.at[slot],
                                  out_hbm.at[pl.ds(base + g * _K, _K)],
                                  osem.at[slot]).wait()

        i_issue(0, 0)
        i_issue(1, 1)
        i_wait(0, 0)
        g_issue(0)

        def group(g, carry):
            slot = g % 2
            nxt = (g + 1) % 2

            @pl.when(g + 1 < groups)
            def _():
                i_wait(g + 1, nxt)

            for j in range(_K):
                pltpu.make_async_copy(table_hbm.at[idx_v.at[slot, j]],
                                      rows_v.at[slot, j], gsem.at[slot]).wait()

            @pl.when(g + 2 < groups)
            def _():
                i_issue(g + 2, slot)

            @pl.when(g + 1 < groups)
            def _():
                @pl.when(g >= 1)
                def _():
                    o_wait(g - 1, nxt)

                g_issue(nxt)

            o_issue(g, slot)
            return carry

        lax.fori_loop(0, groups, group, 0)
        for sl in range(2):
            last = groups - 1 - sl
            o_wait(last, last % 2)

    return k(table, idx2d)


def kernel(x, table):
    b, s = x.shape
    v, d = table.shape
    n = b * s
    idx2d = x.reshape(n // _IDX_W, _IDX_W).astype(jnp.int32)
    out = _gather_rows(table, idx2d, n // _IDX_W, d)
    return out.reshape(b, s, d)

# --- scband reference (transcript-rebuilt; emitter-appended) ---
"""Pipeline reference for scband-tensor-parallel-embedding-5884105195960 (READ-ONLY COPY).

The authoritative reference and input builder live on the scoring server;
editing this copy changes nothing except your own understanding.
"""

import jax, jax.numpy as jnp
import numpy as np

NUM_EMBEDDINGS = 1000000
EMBEDDING_DIM = 64


def setup_inputs(seed: int = 0) -> dict:
    key = jax.random.key(seed)
    k_idx, k_tab = jax.random.split(key)
    x = jax.random.randint(k_idx, (16384, 26), 0, NUM_EMBEDDINGS, dtype=jnp.int64 if jax.config.jax_enable_x64 else jnp.int32)
    table = jax.random.normal(k_tab, (NUM_EMBEDDINGS, EMBEDDING_DIM), dtype=jnp.float32) * 0.02
    return {"x": x, "table": table}


def reference(x, table):
    # nn.Embedding forward: gather rows of table by index
    return jnp.take(table, x, axis=0)

if __name__ == "__main__":
    import jax
    _d = setup_inputs()
    print(jax.jit(kernel)(*tuple(_d.values())))

</pallas_src>

<mosaic_0001>
#map = affine_map<(d0, d1) -> (0, 0)>
#map1 = affine_map<(d0, d1) -> (0, 0, 0)>
module attributes {stable_mosaic.version = 14 : i64} {
  func.func @k(%arg0: i32, %arg1: i32, %arg2: memref<1000000x64xf32, #tpu.memory_space<hbm>>, %arg3: memref<3328x128xi32, #tpu.memory_space<hbm>>, %arg4: memref<3328x128x64xf32, #tpu.memory_space<hbm>>, %arg5: memref<2x4x128xi32, #tpu.memory_space<vmem>>, %arg6: memref<2x4x128x64xf32, #tpu.memory_space<vmem>>, %arg7: memref<2x!tpu.dma_semaphore, #tpu.memory_space<semaphore_mem>>, %arg8: memref<2x!tpu.dma_semaphore, #tpu.memory_space<semaphore_mem>>, %arg9: memref<2x!tpu.dma_semaphore, #tpu.memory_space<semaphore_mem>>) attributes {dimension_semantics = [#tpu.dimension_semantics<core_parallel>, #tpu.dimension_semantics<subcore_parallel>], iteration_bounds = array<i64: 2, 16>, scalar_prefetch = 0 : i64, scratch_operands = 5 : i64, tpu.core_type = #tpu.core_type<sc_vector_subcore>, window_params = [{transform_indices = #map}, {transform_indices = #map}, {transform_indices = #map1}]} {
    %mul3A = arith.constant 2 : i32
    %mul3A_0 = arith.muli %arg1, %mul3A : i32
    %add3A = arith.addi %mul3A_0, %arg0 : i32
    %mul3A_1 = arith.constant 104 : i32
    %mul3A_2 = arith.muli %add3A, %mul3A_1 : i32
    %add3A_3 = arith.constant 0 : i32
    %add3A_4 = arith.addi %mul3A_2, %add3A_3 : i32
    %dma_start3A = arith.constant 0 : i32
    %dma_start3A_5 = arith.constant 0 : i32
    %dma_start3A_6 = arith.constant 0 : i32
    %dma_start3A_7 = arith.constant 0 : i32
    %dma_start3A_8 = tpu.memref_slice %arg5[%dma_start3A, %dma_start3A_6, %dma_start3A_7] : memref<2x4x128xi32, #tpu.memory_space<vmem>> -> memref<1x4x128xi32, #tpu.memory_space<vmem>>
    %dma_start3A_9 = tpu.memref_squeeze %dma_start3A_8 : memref<1x4x128xi32, #tpu.memory_space<vmem>> -> memref<4x128xi32, #tpu.memory_space<vmem>>
    %dma_start3A_10 = arith.constant 0 : i32
    %dma_start3A_11 = tpu.memref_slice %arg3[%add3A_4, %dma_start3A_10] : memref<3328x128xi32, #tpu.memory_space<hbm>> -> memref<4x128xi32, #tpu.memory_space<hbm>>
    %dma_start3A_12 = tpu.memref_slice %arg7[%dma_start3A_5] : memref<2x!tpu.dma_semaphore, #tpu.memory_space<semaphore_mem>> -> memref<1x!tpu.dma_semaphore, #tpu.memory_space<semaphore_mem>>
    %dma_start3A_13 = tpu.memref_squeeze %dma_start3A_12 : memref<1x!tpu.dma_semaphore, #tpu.memory_space<semaphore_mem>> -> memref<!tpu.dma_semaphore, #tpu.memory_space<semaphore_mem>>
    %dma_start3A_14 = arith.constant 0 : i32
    %dma_start3A_15 = arith.constant 0 : i32
    %dma_start3A_16 = tpu.memref_slice %arg5[%dma_start3A, %dma_start3A_14, %dma_start3A_15] : memref<2x4x128xi32, #tpu.memory_space<vmem>> -> memref<1x4x128xi32, #tpu.memory_space<vmem>>
    %dma_start3A_17 = tpu.memref_squeeze %dma_start3A_16 : memref<1x4x128xi32, #tpu.memory_space<vmem>> -> memref<4x128xi32, #tpu.memory_space<vmem>>
    %dma_start3A_18 = arith.constant 0 : i32
    %dma_start3A_19 = tpu.memref_slice %arg3[%add3A_4, %dma_start3A_18] : memref<3328x128xi32, #tpu.memory_space<hbm>> -> memref<4x128xi32, #tpu.memory_space<hbm>>
    tpu.enqueue_dma source(%dma_start3A_19 : memref<4x128xi32, #tpu.memory_space<hbm>>) target(%dma_start3A_17 : memref<4x128xi32, #tpu.memory_space<vmem>>) target_semaphore(%dma_start3A_13 : memref<!tpu.dma_semaphore, #tpu.memory_space<semaphore_mem>>)
    %add3A_20 = arith.constant 4 : i32
    %add3A_21 = arith.addi %mul3A_2, %add3A_20 : i32
    %dma_start3A_22 = arith.constant 1 : i32
    %dma_start3A_23 = arith.constant 1 : i32
    %dma_start3A_24 = arith.constant 0 : i32
    %dma_start3A_25 = arith.constant 0 : i32
    %dma_start3A_26 = tpu.memref_slice %arg5[%dma_start3A_22, %dma_start3A_24, %dma_start3A_25] : memref<2x4x128xi32, #tpu.memory_space<vmem>> -> memref<1x4x128xi32, #tpu.memory_space<vmem>>
    %dma_start3A_27 = tpu.memref_squeeze %dma_start3A_26 : memref<1x4x128xi32, #tpu.memory_space<vmem>> -> memref<4x128xi32, #tpu.memory_space<vmem>>
    %dma_start3A_28 = arith.constant 0 : i32
    %dma_start3A_29 = tpu.memref_slice %arg3[%add3A_21, %dma_start3A_28] : memref<3328x128xi32, #tpu.memory_space<hbm>> -> memref<4x128xi32, #tpu.memory_space<hbm>>
    %dma_start3A_30 = tpu.memref_slice %arg7[%dma_start3A_23] : memref<2x!tpu.dma_semaphore, #tpu.memory_space<semaphore_mem>> -> memref<1x!tpu.dma_semaphore, #tpu.memory_space<semaphore_mem>>
    %dma_start3A_31 = tpu.memref_squeeze %dma_start3A_30 : memref<1x!tpu.dma_semaphore, #tpu.memory_space<semaphore_mem>> -> memref<!tpu.dma_semaphore, #tpu.memory_space<semaphore_mem>>
    %dma_start3A_32 = arith.constant 0 : i32
    %dma_start3A_33 = arith.constant 0 : i32
    %dma_start3A_34 = tpu.memref_slice %arg5[%dma_start3A_22, %dma_start3A_32, %dma_start3A_33] : memref<2x4x128xi32, #tpu.memory_space<vmem>> -> memref<1x4x128xi32, #tpu.memory_space<vmem>>
    %dma_start3A_35 = tpu.memref_squeeze %dma_start3A_34 : memref<1x4x128xi32, #tpu.memory_space<vmem>> -> memref<4x128xi32, #tpu.memory_space<vmem>>
    %dma_start3A_36 = arith.constant 0 : i32
    %dma_start3A_37 = tpu.memref_slice %arg3[%add3A_21, %dma_start3A_36] : memref<3328x128xi32, #tpu.memory_space<hbm>> -> memref<4x128xi32, #tpu.memory_space<hbm>>
    tpu.enqueue_dma source(%dma_start3A_37 : memref<4x128xi32, #tpu.memory_space<hbm>>) target(%dma_start3A_35 : memref<4x128xi32, #tpu.memory_space<vmem>>) target_semaphore(%dma_start3A_31 : memref<!tpu.dma_semaphore, #tpu.memory_space<semaphore_mem>>)
    %add3A_38 = arith.constant 0 : i32
    %add3A_39 = arith.addi %mul3A_2, %add3A_38 : i32
    %dma_wait3A = arith.constant 0 : i32
    %dma_wait3A_40 = arith.constant 0 : i32
    %dma_wait3A_41 = arith.constant 0 : i32
    %dma_wait3A_42 = arith.constant 0 : i32
    %dma_wait3A_43 = tpu.memref_slice %arg5[%dma_wait3A, %dma_wait3A_41, %dma_wait3A_42] : memref<2x4x128xi32, #tpu.memory_space<vmem>> -> memref<1x4x128xi32, #tpu.memory_space<vmem>>
    %dma_wait3A_44 = tpu.memref_squeeze %dma_wait3A_43 : memref<1x4x128xi32, #tpu.memory_space<vmem>> -> memref<4x128xi32, #tpu.memory_space<vmem>>
    %dma_wait3A_45 = arith.constant 0 : i32
    %dma_wait3A_46 = tpu.memref_slice %arg3[%add3A_39, %dma_wait3A_45] : memref<3328x128xi32, #tpu.memory_space<hbm>> -> memref<4x128xi32, #tpu.memory_space<hbm>>
    %dma_wait3A_47 = tpu.memref_slice %arg7[%dma_wait3A_40] : memref<2x!tpu.dma_semaphore, #tpu.memory_space<semaphore_mem>> -> memref<1x!tpu.dma_semaphore, #tpu.memory_space<semaphore_mem>>
    %dma_wait3A_48 = tpu.memref_squeeze %dma_wait3A_47 : memref<1x!tpu.dma_semaphore, #tpu.memory_space<semaphore_mem>> -> memref<!tpu.dma_semaphore, #tpu.memory_space<semaphore_mem>>
    %dma_wait3A_49 = arith.constant 0 : i32
    %dma_wait3A_50 = arith.constant 0 : i32
    %dma_wait3A_51 = tpu.memref_slice %arg5[%dma_wait3A, %dma_wait3A_49, %dma_wait3A_50] : memref<2x4x128xi32, #tpu.memory_space<vmem>> -> memref<1x4x128xi32, #tpu.memory_space<vmem>>
    %dma_wait3A_52 = tpu.memref_squeeze %dma_wait3A_51 : memref<1x4x128xi32, #tpu.memory_space<vmem>> -> memref<4x128xi32, #tpu.memory_space<vmem>>
    %dma_wait3A_53 = arith.constant 0 : i32
    %dma_wait3A_54 = tpu.memref_slice %arg3[%add3A_39, %dma_wait3A_53] : memref<3328x128xi32, #tpu.memory_space<hbm>> -> memref<4x128xi32, #tpu.memory_space<hbm>>
    tpu.wait_dma2 semaphore(%dma_wait3A_48 : memref<!tpu.dma_semaphore, #tpu.memory_space<semaphore_mem>>) src(%dma_wait3A_54 : memref<4x128xi32, #tpu.memory_space<hbm>>) dst(%dma_wait3A_52 : memref<4x128xi32, #tpu.memory_space<vmem>>)
    %dma_start3A_55 = arith.constant 0 : i32
    %dma_start3A_56 = arith.constant 0 : i32
    %dma_start3A_57 = arith.constant 0 : i32
    %dma_start3A_58 = arith.constant 0 : i32
    %dma_start3A_59 = arith.constant 0 : i32
    %dma_start3A_60 = arith.constant 0 : i32
    %dma_start3A_61 = arith.constant 0 : i32
    %dma_start3A_62 = tpu.memref_slice %arg6[%dma_start3A_57, %dma_start3A_58, %dma_start3A_60, %dma_start3A_61] : memref<2x4x128x64xf32, #tpu.memory_space<vmem>> -> memref<1x1x128x64xf32, #tpu.memory_space<vmem>>
    %dma_start3A_63 = tpu.memref_squeeze %dma_start3A_62 : memref<1x1x128x64xf32, #tpu.memory_space<vmem>> -> memref<128x64xf32, #tpu.memory_space<vmem>>
    %dma_start3A_64 = arith.constant 0 : i32
    %dma_start3A_65 = tpu.memref_slice %arg5[%dma_start3A_55, %dma_start3A_56, %dma_start3A_64] : memref<2x4x128xi32, #tpu.memory_space<vmem>> -> memref<1x1x128xi32, #tpu.memory_space<vmem>>
    %dma_start3A_66 = tpu.memref_squeeze %dma_start3A_65 : memref<1x1x128xi32, #tpu.memory_space<vmem>> -> memref<128xi32, #tpu.memory_space<vmem>>
    %dma_start3A_67 = arith.constant 0 : i32
    %dma_start3A_68 = arith.constant 0 : i32
    %dma_start3A_69 = tpu.memref_slice %arg2[%dma_start3A_67, %dma_start3A_68] : memref<1000000x64xf32, #tpu.memory_space<hbm>> -> memref<1000000x64xf32, #tpu.memory_space<hbm>>
    %dma_start3A_70 = tpu.memref_slice %arg8[%dma_start3A_59] : memref<2x!tpu.dma_semaphore, #tpu.memory_space<semaphore_mem>> -> memref<1x!tpu.dma_semaphore, #tpu.memory_space<semaphore_mem>>
    %dma_start3A_71 = tpu.memref_squeeze %dma_start3A_70 : memref<1x!tpu.dma_semaphore, #tpu.memory_space<semaphore_mem>> -> memref<!tpu.dma_semaphore, #tpu.memory_space<semaphore_mem>>
    tpu.enqueue_indirect_dma source(%dma_start3A_69 : memref<1000000x64xf32, #tpu.memory_space<hbm>>) target(%dma_start3A_63 : memref<128x64xf32, #tpu.memory_space<vmem>>) offsets(%dma_start3A_66 : memref<128xi32, #tpu.memory_space<vmem>>) semaphore(%dma_start3A_71 : memref<!tpu.dma_semaphore, #tpu.memory_space<semaphore_mem>>)
    %dma_start3A_72 = arith.constant 0 : i32
    %dma_start3A_73 = arith.constant 1 : i32
    %dma_start3A_74 = arith.constant 0 : i32
    %dma_start3A_75 = arith.constant 1 : i32
    %dma_start3A_76 = arith.constant 0 : i32
    %dma_start3A_77 = arith.constant 0 : i32
    %dma_start3A_78 = arith.constant 0 : i32
    %dma_start3A_79 = tpu.memref_slice %arg6[%dma_start3A_74, %dma_start3A_75, %dma_start3A_77, %dma_start3A_78] : memref<2x4x128x64xf32, #tpu.memory_space<vmem>> -> memref<1x1x128x64xf32, #tpu.memory_space<vmem>>
    %dma_start3A_80 = tpu.memref_squeeze %dma_start3A_79 : memref<1x1x128x64xf32, #tpu.memory_space<vmem>> -> memref<128x64xf32, #tpu.memory_space<vmem>>
    %dma_start3A_81 = arith.constant 0 : i32
    %dma_start3A_82 = tpu.memref_slice %arg5[%dma_start3A_72, %dma_start3A_73, %dma_start3A_81] : memref<2x4x128xi32, #tpu.memory_space<vmem>> -> memref<1x1x128xi32, #tpu.memory_space<vmem>>
    %dma_start3A_83 = tpu.memref_squeeze %dma_start3A_82 : memref<1x1x128xi32, #tpu.memory_space<vmem>> -> memref<128xi32, #tpu.memory_space<vmem>>
    %dma_start3A_84 = arith.constant 0 : i32
    %dma_start3A_85 = arith.constant 0 : i32
    %dma_start3A_86 = tpu.memref_slice %arg2[%dma_start3A_84, %dma_start3A_85] : memref<1000000x64xf32, #tpu.memory_space<hbm>> -> memref<1000000x64xf32, #tpu.memory_space<hbm>>
    %dma_start3A_87 = tpu.memref_slice %arg8[%dma_start3A_76] : memref<2x!tpu.dma_semaphore, #tpu.memory_space<semaphore_mem>> -> memref<1x!tpu.dma_semaphore, #tpu.memory_space<semaphore_mem>>
    %dma_start3A_88 = tpu.memref_squeeze %dma_start3A_87 : memref<1x!tpu.dma_semaphore, #tpu.memory_space<semaphore_mem>> -> memref<!tpu.dma_semaphore, #tpu.memory_space<semaphore_mem>>
    tpu.enqueue_indirect_dma source(%dma_start3A_86 : memref<1000000x64xf32, #tpu.memory_space<hbm>>) target(%dma_start3A_80 : memref<128x64xf32, #tpu.memory_space<vmem>>) offsets(%dma_start3A_83 : memref<128xi32, #tpu.memory_space<vmem>>) semaphore(%dma_start3A_88 : memref<!tpu.dma_semaphore, #tpu.memory_space<semaphore_mem>>)
    %dma_start3A_89 = arith.constant 0 : i32
    %dma_start3A_90 = arith.constant 2 : i32
    %dma_start3A_91 = arith.constant 0 : i32
    %dma_start3A_92 = arith.constant 2 : i32
    %dma_start3A_93 = arith.constant 0 : i32
    %dma_start3A_94 = arith.constant 0 : i32
    %dma_start3A_95 = arith.constant 0 : i32
    %dma_start3A_96 = tpu.memref_slice %arg6[%dma_start3A_91, %dma_start3A_92, %dma_start3A_94, %dma_start3A_95] : memref<2x4x128x64xf32, #tpu.memory_space<vmem>> -> memref<1x1x128x64xf32, #tpu.memory_space<vmem>>
    %dma_start3A_97 = tpu.memref_squeeze %dma_start3A_96 : memref<1x1x128x64xf32, #tpu.memory_space<vmem>> -> memref<128x64xf32, #tpu.memory_space<vmem>>
    %dma_start3A_98 = arith.constant 0 : i32
    %dma_start3A_99 = tpu.memref_slice %arg5[%dma_start3A_89, %dma_start3A_90, %dma_start3A_98] : memref<2x4x128xi32, #tpu.memory_space<vmem>> -> memref<1x1x128xi32, #tpu.memory_space<vmem>>
    %dma_start3A_100 = tpu.memref_squeeze %dma_start3A_99 : memref<1x1x128xi32, #tpu.memory_space<vmem>> -> memref<128xi32, #tpu.memory_space<vmem>>
    %dma_start3A_101 = arith.constant 0 : i32
    %dma_start3A_102 = arith.constant 0 : i32
    %dma_start3A_103 = tpu.memref_slice %arg2[%dma_start3A_101, %dma_start3A_102] : memref<1000000x64xf32, #tpu.memory_space<hbm>> -> memref<1000000x64xf32, #tpu.memory_space<hbm>>
    %dma_start3A_104 = tpu.memref_slice %arg8[%dma_start3A_93] : memref<2x!tpu.dma_semaphore, #tpu.memory_space<semaphore_mem>> -> memref<1x!tpu.dma_semaphore, #tpu.memory_space<semaphore_mem>>
    %dma_start3A_105 = tpu.memref_squeeze %dma_start3A_104 : memref<1x!tpu.dma_semaphore, #tpu.memory_space<semaphore_mem>> -> memref<!tpu.dma_semaphore, #tpu.memory_space<semaphore_mem>>
    tpu.enqueue_indirect_dma source(%dma_start3A_103 : memref<1000000x64xf32, #tpu.memory_space<hbm>>) target(%dma_start3A_97 : memref<128x64xf32, #tpu.memory_space<vmem>>) offsets(%dma_start3A_100 : memref<128xi32, #tpu.memory_space<vmem>>) semaphore(%dma_start3A_105 : memref<!tpu.dma_semaphore, #tpu.memory_space<semaphore_mem>>)
    %dma_start3A_106 = arith.constant 0 : i32
    %dma_start3A_107 = arith.constant 3 : i32
    %dma_start3A_108 = arith.constant 0 : i32
    %dma_start3A_109 = arith.constant 3 : i32
    %dma_start3A_110 = arith.constant 0 : i32
    %dma_start3A_111 = arith.constant 0 : i32
    %dma_start3A_112 = arith.constant 0 : i32
    %dma_start3A_113 = tpu.memref_slice %arg6[%dma_start3A_108, %dma_start3A_109, %dma_start3A_111, %dma_start3A_112] : memref<2x4x128x64xf32, #tpu.memory_space<vmem>> -> memref<1x1x128x64xf32, #tpu.memory_space<vmem>>
    %dma_start3A_114 = tpu.memref_squeeze %dma_start3A_113 : memref<1x1x128x64xf32, #tpu.memory_space<vmem>> -> memref<128x64xf32, #tpu.memory_space<vmem>>
    %dma_start3A_115 = arith.constant 0 : i32
    %dma_start3A_116 = tpu.memref_slice %arg5[%dma_start3A_106, %dma_start3A_107, %dma_start3A_115] : memref<2x4x128xi32, #tpu.memory_space<vmem>> -> memref<1x1x128xi32, #tpu.memory_space<vmem>>
    %dma_start3A_117 = tpu.memref_squeeze %dma_start3A_116 : memref<1x1x128xi32, #tpu.memory_space<vmem>> -> memref<128xi32, #tpu.memory_space<vmem>>
    %dma_start3A_118 = arith.constant 0 : i32
    %dma_start3A_119 = arith.constant 0 : i32
    %dma_start3A_120 = tpu.memref_slice %arg2[%dma_start3A_118, %dma_start3A_119] : memref<1000000x64xf32, #tpu.memory_space<hbm>> -> memref<1000000x64xf32, #tpu.memory_space<hbm>>
    %dma_start3A_121 = tpu.memref_slice %arg8[%dma_start3A_110] : memref<2x!tpu.dma_semaphore, #tpu.memory_space<semaphore_mem>> -> memref<1x!tpu.dma_semaphore, #tpu.memory_space<semaphore_mem>>
    %dma_start3A_122 = tpu.memref_squeeze %dma_start3A_121 : memref<1x!tpu.dma_semaphore, #tpu.memory_space<semaphore_mem>> -> memref<!tpu.dma_semaphore, #tpu.memory_space<semaphore_mem>>
    tpu.enqueue_indirect_dma source(%dma_start3A_120 : memref<1000000x64xf32, #tpu.memory_space<hbm>>) target(%dma_start3A_114 : memref<128x64xf32, #tpu.memory_space<vmem>>) offsets(%dma_start3A_117 : memref<128xi32, #tpu.memory_space<vmem>>) semaphore(%dma_start3A_122 : memref<!tpu.dma_semaphore, #tpu.memory_space<semaphore_mem>>)
    %scan3A = arith.constant 0 : i32
    %scan3A_123 = arith.constant 0 : i32
    %scan3A_124 = arith.constant 26 : i32
    %scan3A_125 = arith.addi %scan3A_123, %scan3A_124 : i32
    %scan3A_126 = arith.constant 1 : i32
    scf.for %scan3A_172 = %scan3A_123 to %scan3A_125 step %scan3A_126  : i32 {
      %jit3A = arith.constant 2 : i32
      %eq3A = arith.constant 0 : i32
      %eq3A_173 = arith.cmpi eq, %jit3A, %eq3A : i32
      %jit3A_174 = arith.constant 1 : i32
      %select_n3A = arith.select %eq3A_173, %jit3A_174, %jit3A : i32
      %rem3A = arith.remsi %scan3A_172, %select_n3A : i32
      %ne3A = arith.constant 0 : i32
      %ne3A_175 = arith.cmpi ne, %rem3A, %ne3A : i32
      %lt3A = arith.constant 0 : i32
      %lt3A_176 = arith.cmpi slt, %rem3A, %lt3A : i32
      %lt3A_177 = arith.constant 0 : i32
      %lt3A_178 = arith.cmpi slt, %select_n3A, %lt3A_177 : i32
      %ne3A_179 = arith.xori %lt3A_176, %lt3A_178 : i1
      %and3A = arith.andi %ne3A_179, %ne3A_175 : i1
      %add3A_180 = arith.addi %rem3A, %select_n3A : i32
      %select_n3A_181 = arith.select %and3A, %add3A_180, %rem3A : i32
      %add3A_182 = arith.constant 1 : i32
      %add3A_183 = arith.addi %scan3A_172, %add3A_182 : i32
      %jit3A_184 = arith.constant 2 : i32
      %eq3A_185 = arith.constant 0 : i32
      %eq3A_186 = arith.cmpi eq, %jit3A_184, %eq3A_185 : i32
      %jit3A_187 = arith.constant 1 : i32
      %select_n3A_188 = arith.select %eq3A_186, %jit3A_187, %jit3A_184 : i32
      %rem3A_189 = arith.remsi %add3A_183, %select_n3A_188 : i32
      %ne3A_190 = arith.constant 0 : i32
      %ne3A_191 = arith.cmpi ne, %rem3A_189, %ne3A_190 : i32
      %lt3A_192 = arith.constant 0 : i32
      %lt3A_193 = arith.cmpi slt, %rem3A_189, %lt3A_192 : i32
      %lt3A_194 = arith.constant 0 : i32
      %lt3A_195 = arith.cmpi slt, %select_n3A_188, %lt3A_194 : i32
      %ne3A_196 = arith.xori %lt3A_193, %lt3A_195 : i1
      %and3A_197 = arith.andi %ne3A_196, %ne3A_191 : i1
      %add3A_198 = arith.addi %rem3A_189, %select_n3A_188 : i32
      %select_n3A_199 = arith.select %and3A_197, %add3A_198, %rem3A_189 : i32
      %add3A_200 = arith.constant 1 : i32
      %add3A_201 = arith.addi %scan3A_172, %add3A_200 : i32
      %lt3A_202 = arith.constant 26 : i32
      %lt3A_203 = arith.cmpi slt, %add3A_201, %lt3A_202 : i32
      %convert_element_type3A = arith.extui %lt3A_203 : i1 to i32
      %cond3A = arith.constant 0 : i32
      %cond3A_204 = arith.cmpi ne, %convert_element_type3A, %cond3A : i32
      scf.if %cond3A_204 {
        %add3A_296 = arith.constant 1 : i32
        %add3A_297 = arith.addi %scan3A_172, %add3A_296 : i32
        %mul3A_298 = arith.constant 4 : i32
        %mul3A_299 = arith.muli %add3A_297, %mul3A_298 : i32
        %add3A_300 = arith.addi %mul3A_2, %mul3A_299 : i32
        %dma_wait3A_301 = arith.constant 0 : i32
        %dma_wait3A_302 = arith.constant 0 : i32
        %dma_wait3A_303 = tpu.memref_slice %arg5[%select_n3A_199, %dma_wait3A_301, %dma_wait3A_302] : memref<2x4x128xi32, #tpu.memory_space<vmem>> -> memref<1x4x128xi32, #tpu.memory_space<vmem>>
        %dma_wait3A_304 = tpu.memref_squeeze %dma_wait3A_303 : memref<1x4x128xi32, #tpu.memory_space<vmem>> -> memref<4x128xi32, #tpu.memory_space<vmem>>
        %dma_wait3A_305 = arith.constant 0 : i32
        %dma_wait3A_306 = tpu.memref_slice %arg3[%add3A_300, %dma_wait3A_305] : memref<3328x128xi32, #tpu.memory_space<hbm>> -> memref<4x128xi32, #tpu.memory_space<hbm>>
        %dma_wait3A_307 = tpu.memref_slice %arg7[%select_n3A_199] : memref<2x!tpu.dma_semaphore, #tpu.memory_space<semaphore_mem>> -> memref<1x!tpu.dma_semaphore, #tpu.memory_space<semaphore_mem>>
        %dma_wait3A_308 = tpu.memref_squeeze %dma_wait3A_307 : memref<1x!tpu.dma_semaphore, #tpu.memory_space<semaphore_mem>> -> memref<!tpu.dma_semaphore, #tpu.memory_space<semaphore_mem>>
        %dma_wait3A_309 = arith.constant 0 : i32
        %dma_wait3A_310 = arith.constant 0 : i32
        %dma_wait3A_311 = tpu.memref_slice %arg5[%select_n3A_199, %dma_wait3A_309, %dma_wait3A_310] : memref<2x4x128xi32, #tpu.memory_space<vmem>> -> memref<1x4x128xi32, #tpu.memory_space<vmem>>
        %dma_wait3A_312 = tpu.memref_squeeze %dma_wait3A_311 : memref<1x4x128xi32, #tpu.memory_space<vmem>> -> memref<4x128xi32, #tpu.memory_space<vmem>>
        %dma_wait3A_313 = arith.constant 0 : i32
        %dma_wait3A_314 = tpu.memref_slice %arg3[%add3A_300, %dma_wait3A_313] : memref<3328x128xi32, #tpu.memory_space<hbm>> -> memref<4x128xi32, #tpu.memory_space<hbm>>
        tpu.wait_dma2 semaphore(%dma_wait3A_308 : memref<!tpu.dma_semaphore, #tpu.memory_space<semaphore_mem>>) src(%dma_wait3A_314 : memref<4x128xi32, #tpu.memory_space<hbm>>) dst(%dma_wait3A_312 : memref<4x128xi32, #tpu.memory_space<vmem>>)
      } else {
      }
      %dma_wait3A_205 = arith.constant 0 : i32
      %dma_wait3A_206 = arith.constant 0 : i32
      %dma_wait3A_207 = arith.constant 0 : i32
      %dma_wait3A_208 = arith.constant 0 : i32
      %dma_wait3A_209 = tpu.memref_slice %arg6[%select_n3A_181, %dma_wait3A_206, %dma_wait3A_207, %dma_wait3A_208] : memref<2x4x128x64xf32, #tpu.memory_space<vmem>> -> memref<1x1x128x64xf32, #tpu.memory_space<vmem>>
      %dma_wait3A_210 = tpu.memref_squeeze %dma_wait3A_209 : memref<1x1x128x64xf32, #tpu.memory_space<vmem>> -> memref<128x64xf32, #tpu.memory_space<vmem>>
      %dma_wait3A_211 = arith.constant 0 : i32
      %dma_wait3A_212 = tpu.memref_slice %arg5[%select_n3A_181, %dma_wait3A_205, %dma_wait3A_211] : memref<2x4x128xi32, #tpu.memory_space<vmem>> -> memref<1x1x128xi32, #tpu.memory_space<vmem>>
      %dma_wait3A_213 = tpu.memref_squeeze %dma_wait3A_212 : memref<1x1x128xi32, #tpu.memory_space<vmem>> -> memref<128xi32, #tpu.memory_space<vmem>>
      %dma_wait3A_214 = arith.constant 0 : i32
      %dma_wait3A_215 = arith.constant 0 : i32
      %dma_wait3A_216 = tpu.memref_slice %arg2[%dma_wait3A_214, %dma_wait3A_215] : memref<1000000x64xf32, #tpu.memory_space<hbm>> -> memref<1000000x64xf32, #tpu.memory_space<hbm>>
      %dma_wait3A_217 = tpu.memref_slice %arg8[%select_n3A_181] : memref<2x!tpu.dma_semaphore, #tpu.memory_space<semaphore_mem>> -> memref<1x!tpu.dma_semaphore, #tpu.memory_space<semaphore_mem>>
      %dma_wait3A_218 = tpu.memref_squeeze %dma_wait3A_217 : memref<1x!tpu.dma_semaphore, #tpu.memory_space<semaphore_mem>> -> memref<!tpu.dma_semaphore, #tpu.memory_space<semaphore_mem>>
      tpu.wait_indirect_dma semaphore(%dma_wait3A_218 : memref<!tpu.dma_semaphore, #tpu.memory_space<semaphore_mem>>) src(%dma_wait3A_216 : memref<1000000x64xf32, #tpu.memory_space<hbm>>) dst(%dma_wait3A_210 : memref<128x64xf32, #tpu.memory_space<vmem>>)
      %dma_wait3A_219 = arith.constant 1 : i32
      %dma_wait3A_220 = arith.constant 1 : i32
      %dma_wait3A_221 = arith.constant 0 : i32
      %dma_wait3A_222 = arith.constant 0 : i32
      %dma_wait3A_223 = tpu.memref_slice %arg6[%select_n3A_181, %dma_wait3A_220, %dma_wait3A_221, %dma_wait3A_222] : memref<2x4x128x64xf32, #tpu.memory_space<vmem>> -> memref<1x1x128x64xf32, #tpu.memory_space<vmem>>
      %dma_wait3A_224 = tpu.memref_squeeze %dma_wait3A_223 : memref<1x1x128x64xf32, #tpu.memory_space<vmem>> -> memref<128x64xf32, #tpu.memory_space<vmem>>
      %dma_wait3A_225 = arith.constant 0 : i32
      %dma_wait3A_226 = tpu.memref_slice %arg5[%select_n3A_181, %dma_wait3A_219, %dma_wait3A_225] : memref<2x4x128xi32, #tpu.memory_space<vmem>> -> memref<1x1x128xi32, #tpu.memory_space<vmem>>
      %dma_wait3A_227 = tpu.memref_squeeze %dma_wait3A_226 : memref<1x1x128xi32, #tpu.memory_space<vmem>> -> memref<128xi32, #tpu.memory_space<vmem>>
      %dma_wait3A_228 = arith.constant 0 : i32
      %dma_wait3A_229 = arith.constant 0 : i32
      %dma_wait3A_230 = tpu.memref_slice %arg2[%dma_wait3A_228, %dma_wait3A_229] : memref<1000000x64xf32, #tpu.memory_space<hbm>> -> memref<1000000x64xf32, #tpu.memory_space<hbm>>
      %dma_wait3A_231 = tpu.memref_slice %arg8[%select_n3A_181] : memref<2x!tpu.dma_semaphore, #tpu.memory_space<semaphore_mem>> -> memref<1x!tpu.dma_semaphore, #tpu.memory_space<semaphore_mem>>
      %dma_wait3A_232 = tpu.memref_squeeze %dma_wait3A_231 : memref<1x!tpu.dma_semaphore, #tpu.memory_space<semaphore_mem>> -> memref<!tpu.dma_semaphore, #tpu.memory_space<semaphore_mem>>
      tpu.wait_indirect_dma semaphore(%dma_wait3A_232 : memref<!tpu.dma_semaphore, #tpu.memory_space<semaphore_mem>>) src(%dma_wait3A_230 : memref<1000000x64xf32, #tpu.memory_space<hbm>>) dst(%dma_wait3A_224 : memref<128x64xf32, #tpu.memory_space<vmem>>)
      %dma_wait3A_233 = arith.constant 2 : i32
      %dma_wait3A_234 = arith.constant 2 : i32
      %dma_wait3A_235 = arith.constant 0 : i32
      %dma_wait3A_236 = arith.constant 0 : i32
      %dma_wait3A_237 = tpu.memref_slice %arg6[%select_n3A_181, %dma_wait3A_234, %dma_wait3A_235, %dma_wait3A_236] : memref<2x4x128x64xf32, #tpu.memory_space<vmem>> -> memref<1x1x128x64xf32, #tpu.memory_space<vmem>>
      %dma_wait3A_238 = tpu.memref_squeeze %dma_wait3A_237 : memref<1x1x128x64xf32, #tpu.memory_space<vmem>> -> memref<128x64xf32, #tpu.memory_space<vmem>>
      %dma_wait3A_239 = arith.constant 0 : i32
      %dma_wait3A_240 = tpu.memref_slice %arg5[%select_n3A_181, %dma_wait3A_233, %dma_wait3A_239] : memref<2x4x128xi32, #tpu.memory_space<vmem>> -> memref<1x1x128xi32, #tpu.memory_space<vmem>>
      %dma_wait3A_241 = tpu.memref_squeeze %dma_wait3A_240 : memref<1x1x128xi32, #tpu.memory_space<vmem>> -> memref<128xi32, #tpu.memory_space<vmem>>
      %dma_wait3A_242 = arith.constant 0 : i32
      %dma_wait3A_243 = arith.constant 0 : i32
      %dma_wait3A_244 = tpu.memref_slice %arg2[%dma_wait3A_242, %dma_wait3A_243] : memref<1000000x64xf32, #tpu.memory_space<hbm>> -> memref<1000000x64xf32, #tpu.memory_space<hbm>>
      %dma_wait3A_245 = tpu.memref_slice %arg8[%select_n3A_181] : memref<2x!tpu.dma_semaphore, #tpu.memory_space<semaphore_mem>> -> memref<1x!tpu.dma_semaphore, #tpu.memory_space<semaphore_mem>>
      %dma_wait3A_246 = tpu.memref_squeeze %dma_wait3A_245 : memref<1x!tpu.dma_semaphore, #tpu.memory_space<semaphore_mem>> -> memref<!tpu.dma_semaphore, #tpu.memory_space<semaphore_mem>>
      tpu.wait_indirect_dma semaphore(%dma_wait3A_246 : memref<!tpu.dma_semaphore, #tpu.memory_space<semaphore_mem>>) src(%dma_wait3A_244 : memref<1000000x64xf32, #tpu.memory_space<hbm>>) dst(%dma_wait3A_238 : memref<128x64xf32, #tpu.memory_space<vmem>>)
      %dma_wait3A_247 = arith.constant 3 : i32
      %dma_wait3A_248 = arith.constant 3 : i32
      %dma_wait3A_249 = arith.constant 0 : i32
      %dma_wait3A_250 = arith.constant 0 : i32
      %dma_wait3A_251 = tpu.memref_slice %arg6[%select_n3A_181, %dma_wait3A_248, %dma_wait3A_249, %dma_wait3A_250] : memref<2x4x128x64xf32, #tpu.memory_space<vmem>> -> memref<1x1x128x64xf32, #tpu.memory_space<vmem>>
      %dma_wait3A_252 = tpu.memref_squeeze %dma_wait3A_251 : memref<1x1x128x64xf32, #tpu.memory_space<vmem>> -> memref<128x64xf32, #tpu.memory_space<vmem>>
      %dma_wait3A_253 = arith.constant 0 : i32
      %dma_wait3A_254 = tpu.memref_slice %arg5[%select_n3A_181, %dma_wait3A_247, %dma_wait3A_253] : memref<2x4x128xi32, #tpu.memory_space<vmem>> -> memref<1x1x128xi32, #tpu.memory_space<vmem>>
      %dma_wait3A_255 = tpu.memref_squeeze %dma_wait3A_254 : memref<1x1x128xi32, #tpu.memory_space<vmem>> -> memref<128xi32, #tpu.memory_space<vmem>>
      %dma_wait3A_256 = arith.constant 0 : i32
      %dma_wait3A_257 = arith.constant 0 : i32
      %dma_wait3A_258 = tpu.memref_slice %arg2[%dma_wait3A_256, %dma_wait3A_257] : memref<1000000x64xf32, #tpu.memory_space<hbm>> -> memref<1000000x64xf32, #tpu.memory_space<hbm>>
      %dma_wait3A_259 = tpu.memref_slice %arg8[%select_n3A_181] : memref<2x!tpu.dma_semaphore, #tpu.memory_space<semaphore_mem>> -> memref<1x!tpu.dma_semaphore, #tpu.memory_space<semaphore_mem>>
      %dma_wait3A_260 = tpu.memref_squeeze %dma_wait3A_259 : memref<1x!tpu.dma_semaphore, #tpu.memory_space<semaphore_mem>> -> memref<!tpu.dma_semaphore, #tpu.memory_space<semaphore_mem>>
      tpu.wait_indirect_dma semaphore(%dma_wait3A_260 : memref<!tpu.dma_semaphore, #tpu.memory_space<semaphore_mem>>) src(%dma_wait3A_258 : memref<1000000x64xf32, #tpu.memory_space<hbm>>) dst(%dma_wait3A_252 : memref<128x64xf32, #tpu.memory_space<vmem>>)
      %add3A_261 = arith.constant 2 : i32
      %add3A_262 = arith.addi %scan3A_172, %add3A_261 : i32
      %lt3A_263 = arith.constant 26 : i32
      %lt3A_264 = arith.cmpi slt, %add3A_262, %lt3A_263 : i32
      %convert_element_type3A_265 = arith.extui %lt3A_264 : i1 to i32
      %cond3A_266 = arith.constant 0 : i32
      %cond3A_267 = arith.cmpi ne, %convert_element_type3A_265, %cond3A_266 : i32
      scf.if %cond3A_267 {
        %add3A_296 = arith.constant 2 : i32
        %add3A_297 = arith.addi %scan3A_172, %add3A_296 : i32
        %mul3A_298 = arith.constant 4 : i32
        %mul3A_299 = arith.muli %add3A_297, %mul3A_298 : i32
        %add3A_300 = arith.addi %mul3A_2, %mul3A_299 : i32
        %dma_start3A_301 = arith.constant 0 : i32
        %dma_start3A_302 = arith.constant 0 : i32
        %dma_start3A_303 = tpu.memref_slice %arg5[%select_n3A_181, %dma_start3A_301, %dma_start3A_302] : memref<2x4x128xi32, #tpu.memory_space<vmem>> -> memref<1x4x128xi32, #tpu.memory_space<vmem>>
        %dma_start3A_304 = tpu.memref_squeeze %dma_start3A_303 : memref<1x4x128xi32, #tpu.memory_space<vmem>> -> memref<4x128xi32, #tpu.memory_space<vmem>>
        %dma_start3A_305 = arith.constant 0 : i32
        %dma_start3A_306 = tpu.memref_slice %arg3[%add3A_300, %dma_start3A_305] : memref<3328x128xi32, #tpu.memory_space<hbm>> -> memref<4x128xi32, #tpu.memory_space<hbm>>
        %dma_start3A_307 = tpu.memref_slice %arg7[%select_n3A_181] : memref<2x!tpu.dma_semaphore, #tpu.memory_space<semaphore_mem>> -> memref<1x!tpu.dma_semaphore, #tpu.memory_space<semaphore_mem>>
        %dma_start3A_308 = tpu.memref_squeeze %dma_start3A_307 : memref<1x!tpu.dma_semaphore, #tpu.memory_space<semaphore_mem>> -> memref<!tpu.dma_semaphore, #tpu.memory_space<semaphore_mem>>
        %dma_start3A_309 = arith.constant 0 : i32
        %dma_start3A_310 = arith.constant 0 : i32
        %dma_start3A_311 = tpu.memref_slice %arg5[%select_n3A_181, %dma_start3A_309, %dma_start3A_310] : memref<2x4x128xi32, #tpu.memory_space<vmem>> -> memref<1x4x128xi32, #tpu.memory_space<vmem>>
        %dma_start3A_312 = tpu.memref_squeeze %dma_start3A_311 : memref<1x4x128xi32, #tpu.memory_space<vmem>> -> memref<4x128xi32, #tpu.memory_space<vmem>>
        %dma_start3A_313 = arith.constant 0 : i32
        %dma_start3A_314 = tpu.memref_slice %arg3[%add3A_300, %dma_start3A_313] : memref<3328x128xi32, #tpu.memory_space<hbm>> -> memref<4x128xi32, #tpu.memory_space<hbm>>
        tpu.enqueue_dma source(%dma_start3A_314 : memref<4x128xi32, #tpu.memory_space<hbm>>) target(%dma_start3A_312 : memref<4x128xi32, #tpu.memory_space<vmem>>) target_semaphore(%dma_start3A_308 : memref<!tpu.dma_semaphore, #tpu.memory_space<semaphore_mem>>)
      } else {
      }
      %add3A_268 = arith.constant 1 : i32
      %add3A_269 = arith.addi %scan3A_172, %add3A_268 : i32
      %lt3A_270 = arith.constant 26 : i32
      %lt3A_271 = arith.cmpi slt, %add3A_269, %lt3A_270 : i32
      %convert_element_type3A_272 = arith.extui %lt3A_271 : i1 to i32
      %cond3A_273 = arith.constant 0 : i32
      %cond3A_274 = arith.cmpi ne, %convert_element_type3A_272, %cond3A_273 : i32
      scf.if %cond3A_274 {
        %ge3A = arith.constant 1 : i32
        %ge3A_296 = arith.cmpi sge, %scan3A_172, %ge3A : i32
        %convert_element_type3A_297 = arith.extui %ge3A_296 : i1 to i32
        %cond3A_298 = arith.constant 0 : i32
        %cond3A_299 = arith.cmpi ne, %convert_element_type3A_297, %cond3A_298 : i32
        scf.if %cond3A_299 {
          %sub3A = arith.constant 1 : i32
          %sub3A_356 = arith.subi %scan3A_172, %sub3A : i32
          %mul3A_357 = arith.constant 4 : i32
          %mul3A_358 = arith.muli %sub3A_356, %mul3A_357 : i32
          %add3A_359 = arith.addi %mul3A_2, %mul3A_358 : i32
          %dma_wait3A_360 = arith.constant 0 : i32
          %dma_wait3A_361 = arith.constant 0 : i32
          %dma_wait3A_362 = arith.constant 0 : i32
          %dma_wait3A_363 = tpu.memref_slice %arg6[%select_n3A_199, %dma_wait3A_360, %dma_wait3A_361, %dma_wait3A_362] : memref<2x4x128x64xf32, #tpu.memory_space<vmem>> -> memref<1x4x128x64xf32, #tpu.memory_space<vmem>>
          %dma_wait3A_364 = tpu.memref_squeeze %dma_wait3A_363 : memref<1x4x128x64xf32, #tpu.memory_space<vmem>> -> memref<4x128x64xf32, #tpu.memory_space<vmem>>
          %dma_wait3A_365 = arith.constant 0 : i32
          %dma_wait3A_366 = arith.constant 0 : i32
          %dma_wait3A_367 = tpu.memref_slice %arg4[%add3A_359, %dma_wait3A_365, %dma_wait3A_366] : memref<3328x128x64xf32, #tpu.memory_space<hbm>> -> memref<4x128x64xf32, #tpu.memory_space<hbm>>
          %dma_wait3A_368 = tpu.memref_slice %arg9[%select_n3A_199] : memref<2x!tpu.dma_semaphore, #tpu.memory_space<semaphore_mem>> -> memref<1x!tpu.dma_semaphore, #tpu.memory_space<semaphore_mem>>
          %dma_wait3A_369 = tpu.memref_squeeze %dma_wait3A_368 : memref<1x!tpu.dma_semaphore, #tpu.memory_space<semaphore_mem>> -> memref<!tpu.dma_semaphore, #tpu.memory_space<semaphore_mem>>
          %dma_wait3A_370 = arith.constant 0 : i32
          %dma_wait3A_371 = arith.constant 0 : i32
          %dma_wait3A_372 = tpu.memref_slice %arg4[%add3A_359, %dma_wait3A_370, %dma_wait3A_371] : memref<3328x128x64xf32, #tpu.memory_space<hbm>> -> memref<4x128x64xf32, #tpu.memory_space<hbm>>
          %dma_wait3A_373 = arith.constant 0 : i32
          %dma_wait3A_374 = arith.constant 0 : i32
          %dma_wait3A_375 = arith.constant 0 : i32
          %dma_wait3A_376 = tpu.memref_slice %arg6[%select_n3A_199, %dma_wait3A_373, %dma_wait3A_374, %dma_wait3A_375] : memref<2x4x128x64xf32, #tpu.memory_space<vmem>> -> memref<1x4x128x64xf32, #tpu.memory_space<vmem>>
          %dma_wait3A_377 = tpu.memref_squeeze %dma_wait3A_376 : memref<1x4x128x64xf32, #tpu.memory_space<vmem>> -> memref<4x128x64xf32, #tpu.memory_space<vmem>>
          tpu.wait_dma2 semaphore(%dma_wait3A_369 : memref<!tpu.dma_semaphore, #tpu.memory_space<semaphore_mem>>) src(%dma_wait3A_377 : memref<4x128x64xf32, #tpu.memory_space<vmem>>) dst(%dma_wait3A_372 : memref<4x128x64xf32, #tpu.memory_space<hbm>>)
        } else {
        }
        %dma_start3A_300 = arith.constant 0 : i32
        %dma_start3A_301 = arith.constant 0 : i32
        %dma_start3A_302 = arith.constant 0 : i32
        %dma_start3A_303 = arith.constant 0 : i32
        %dma_start3A_304 = tpu.memref_slice %arg6[%select_n3A_199, %dma_start3A_301, %dma_start3A_302, %dma_start3A_303] : memref<2x4x128x64xf32, #tpu.memory_space<vmem>> -> memref<1x1x128x64xf32, #tpu.memory_space<vmem>>
        %dma_start3A_305 = tpu.memref_squeeze %dma_start3A_304 : memref<1x1x128x64xf32, #tpu.memory_space<vmem>> -> memref<128x64xf32, #tpu.memory_space<vmem>>
        %dma_start3A_306 = arith.constant 0 : i32
        %dma_start3A_307 = tpu.memref_slice %arg5[%select_n3A_199, %dma_start3A_300, %dma_start3A_306] : memref<2x4x128xi32, #tpu.memory_space<vmem>> -> memref<1x1x128xi32, #tpu.memory_space<vmem>>
        %dma_start3A_308 = tpu.memref_squeeze %dma_start3A_307 : memref<1x1x128xi32, #tpu.memory_space<vmem>> -> memref<128xi32, #tpu.memory_space<vmem>>
        %dma_start3A_309 = arith.constant 0 : i32
        %dma_start3A_310 = arith.constant 0 : i32
        %dma_start3A_311 = tpu.memref_slice %arg2[%dma_start3A_309, %dma_start3A_310] : memref<1000000x64xf32, #tpu.memory_space<hbm>> -> memref<1000000x64xf32, #tpu.memory_space<hbm>>
        %dma_start3A_312 = tpu.memref_slice %arg8[%select_n3A_199] : memref<2x!tpu.dma_semaphore, #tpu.memory_space<semaphore_mem>> -> memref<1x!tpu.dma_semaphore, #tpu.memory_space<semaphore_mem>>
        %dma_start3A_313 = tpu.memref_squeeze %dma_start3A_312 : memref<1x!tpu.dma_semaphore, #tpu.memory_space<semaphore_mem>> -> memref<!tpu.dma_semaphore, #tpu.memory_space<semaphore_mem>>
        tpu.enqueue_indirect_dma source(%dma_start3A_311 : memref<1000000x64xf32, #tpu.memory_space<hbm>>) target(%dma_start3A_305 : memref<128x64xf32, #tpu.memory_space<vmem>>) offsets(%dma_start3A_308 : memref<128xi32, #tpu.memory_space<vmem>>) semaphore(%dma_start3A_313 : memref<!tpu.dma_semaphore, #tpu.memory_space<semaphore_mem>>)
        %dma_start3A_314 = arith.constant 1 : i32
        %dma_start3A_315 = arith.constant 1 : i32
        %dma_start3A_316 = arith.constant 0 : i32
        %dma_start3A_317 = arith.constant 0 : i32
        %dma_start3A_318 = tpu.memref_slice %arg6[%select_n3A_199, %dma_start3A_315, %dma_start3A_316, %dma_start3A_317] : memref<2x4x128x64xf32, #tpu.memory_space<vmem>> -> memref<1x1x128x64xf32, #tpu.memory_space<vmem>>
        %dma_start3A_319 = tpu.memref_squeeze %dma_start3A_318 : memref<1x1x128x64xf32, #tpu.memory_space<vmem>> -> memref<128x64xf32, #tpu.memory_space<vmem>>
        %dma_start3A_320 = arith.constant 0 : i32
        %dma_start3A_321 = tpu.memref_slice %arg5[%select_n3A_199, %dma_start3A_314, %dma_start3A_320] : memref<2x4x128xi32, #tpu.memory_space<vmem>> -> memref<1x1x128xi32, #tpu.memory_space<vmem>>
        %dma_start3A_322 = tpu.memref_squeeze %dma_start3A_321 : memref<1x1x128xi32, #tpu.memory_space<vmem>> -> memref<128xi32, #tpu.memory_space<vmem>>
        %dma_start3A_323 = arith.constant 0 : i32
        %dma_start3A_324 = arith.constant 0 : i32
        %dma_start3A_325 = tpu.memref_slice %arg2[%dma_start3A_323, %dma_start3A_324] : memref<1000000x64xf32, #tpu.memory_space<hbm>> -> memref<1000000x64xf32, #tpu.memory_space<hbm>>
        %dma_start3A_326 = tpu.memref_slice %arg8[%select_n3A_199] : memref<2x!tpu.dma_semaphore, #tpu.memory_space<semaphore_mem>> -> memref<1x!tpu.dma_semaphore, #tpu.memory_space<semaphore_mem>>
        %dma_start3A_327 = tpu.memref_squeeze %dma_start3A_326 : memref<1x!tpu.dma_semaphore, #tpu.memory_space<semaphore_mem>> -> memref<!tpu.dma_semaphore, #tpu.memory_space<semaphore_mem>>
        tpu.enqueue_indirect_dma source(%dma_start3A_325 : memref<1000000x64xf32, #tpu.memory_space<hbm>>) target(%dma_start3A_319 : memref<128x64xf32, #tpu.memory_space<vmem>>) offsets(%dma_start3A_322 : memref<128xi32, #tpu.memory_space<vmem>>) semaphore(%dma_start3A_327 : memref<!tpu.dma_semaphore, #tpu.memory_space<semaphore_mem>>)
        %dma_start3A_328 = arith.constant 2 : i32
        %dma_start3A_329 = arith.constant 2 : i32
        %dma_start3A_330 = arith.constant 0 : i32
        %dma_start3A_331 = arith.constant 0 : i32
        %dma_start3A_332 = tpu.memref_slice %arg6[%select_n3A_199, %dma_start3A_329, %dma_start3A_330, %dma_start3A_331] : memref<2x4x128x64xf32, #tpu.memory_space<vmem>> -> memref<1x1x128x64xf32, #tpu.memory_space<vmem>>
        %dma_start3A_333 = tpu.memref_squeeze %dma_start3A_332 : memref<1x1x128x64xf32, #tpu.memory_space<vmem>> -> memref<128x64xf32, #tpu.memory_space<vmem>>
        %dma_start3A_334 = arith.constant 0 : i32
        %dma_start3A_335 = tpu.memref_slice %arg5[%select_n3A_199, %dma_start3A_328, %dma_start3A_334] : memref<2x4x128xi32, #tpu.memory_space<vmem>> -> memref<1x1x128xi32, #tpu.memory_space<vmem>>
        %dma_start3A_336 = tpu.memref_squeeze %dma_start3A_335 : memref<1x1x128xi32, #tpu.memory_space<vmem>> -> memref<128xi32, #tpu.memory_space<vmem>>
        %dma_start3A_337 = arith.constant 0 : i32
        %dma_start3A_338 = arith.constant 0 : i32
        %dma_start3A_339 = tpu.memref_slice %arg2[%dma_start3A_337, %dma_start3A_338] : memref<1000000x64xf32, #tpu.memory_space<hbm>> -> memref<1000000x64xf32, #tpu.memory_space<hbm>>
        %dma_start3A_340 = tpu.memref_slice %arg8[%select_n3A_199] : memref<2x!tpu.dma_semaphore, #tpu.memory_space<semaphore_mem>> -> memref<1x!tpu.dma_semaphore, #tpu.memory_space<semaphore_mem>>
        %dma_start3A_341 = tpu.memref_squeeze %dma_start3A_340 : memref<1x!tpu.dma_semaphore, #tpu.memory_space<semaphore_mem>> -> memref<!tpu.dma_semaphore, #tpu.memory_space<semaphore_mem>>
        tpu.enqueue_indirect_dma source(%dma_start3A_339 : memref<1000000x64xf32, #tpu.memory_space<hbm>>) target(%dma_start3A_333 : memref<128x64xf32, #tpu.memory_space<vmem>>) offsets(%dma_start3A_336 : memref<128xi32, #tpu.memory_space<vmem>>) semaphore(%dma_start3A_341 : memref<!tpu.dma_semaphore, #tpu.memory_space<semaphore_mem>>)
        %dma_start3A_342 = arith.constant 3 : i32
        %dma_start3A_343 = arith.constant 3 : i32
        %dma_start3A_344 = arith.constant 0 : i32
        %dma_start3A_345 = arith.constant 0 : i32
        %dma_start3A_346 = tpu.memref_slice %arg6[%select_n3A_199, %dma_start3A_343, %dma_start3A_344, %dma_start3A_345] : memref<2x4x128x64xf32, #tpu.memory_space<vmem>> -> memref<1x1x128x64xf32, #tpu.memory_space<vmem>>
        %dma_start3A_347 = tpu.memref_squeeze %dma_start3A_346 : memref<1x1x128x64xf32, #tpu.memory_space<vmem>> -> memref<128x64xf32, #tpu.memory_space<vmem>>
        %dma_start3A_348 = arith.constant 0 : i32
        %dma_start3A_349 = tpu.memref_slice %arg5[%select_n3A_199, %dma_start3A_342, %dma_start3A_348] : memref<2x4x128xi32, #tpu.memory_space<vmem>> -> memref<1x1x128xi32, #tpu.memory_space<vmem>>
        %dma_start3A_350 = tpu.memref_squeeze %dma_start3A_349 : memref<1x1x128xi32, #tpu.memory_space<vmem>> -> memref<128xi32, #tpu.memory_space<vmem>>
        %dma_start3A_351 = arith.constant 0 : i32
        %dma_start3A_352 = arith.constant 0 : i32
        %dma_start3A_353 = tpu.memref_slice %arg2[%dma_start3A_351, %dma_start3A_352] : memref<1000000x64xf32, #tpu.memory_space<hbm>> -> memref<1000000x64xf32, #tpu.memory_space<hbm>>
        %dma_start3A_354 = tpu.memref_slice %arg8[%select_n3A_199] : memref<2x!tpu.dma_semaphore, #tpu.memory_space<semaphore_mem>> -> memref<1x!tpu.dma_semaphore, #tpu.memory_space<semaphore_mem>>
        %dma_start3A_355 = tpu.memref_squeeze %dma_start3A_354 : memref<1x!tpu.dma_semaphore, #tpu.memory_space<semaphore_mem>> -> memref<!tpu.dma_semaphore, #tpu.memory_space<semaphore_mem>>
        tpu.enqueue_indirect_dma source(%dma_start3A_353 : memref<1000000x64xf32, #tpu.memory_space<hbm>>) target(%dma_start3A_347 : memref<128x64xf32, #tpu.memory_space<vmem>>) offsets(%dma_start3A_350 : memref<128xi32, #tpu.memory_space<vmem>>) semaphore(%dma_start3A_355 : memref<!tpu.dma_semaphore, #tpu.memory_space<semaphore_mem>>)
      } else {
      }
      %mul3A_275 = arith.constant 4 : i32
      %mul3A_276 = arith.muli %scan3A_172, %mul3A_275 : i32
      %add3A_277 = arith.addi %mul3A_2, %mul3A_276 : i32
      %dma_start3A_278 = arith.constant 0 : i32
      %dma_start3A_279 = arith.constant 0 : i32
      %dma_start3A_280 = arith.constant 0 : i32
      %dma_start3A_281 = tpu.memref_slice %arg6[%select_n3A_181, %dma_start3A_278, %dma_start3A_279, %dma_start3A_280] : memref<2x4x128x64xf32, #tpu.memory_space<vmem>> -> memref<1x4x128x64xf32, #tpu.memory_space<vmem>>
      %dma_start3A_282 = tpu.memref_squeeze %dma_start3A_281 : memref<1x4x128x64xf32, #tpu.memory_space<vmem>> -> memref<4x128x64xf32, #tpu.memory_space<vmem>>
      %dma_start3A_283 = arith.constant 0 : i32
      %dma_start3A_284 = arith.constant 0 : i32
      %dma_start3A_285 = tpu.memref_slice %arg4[%add3A_277, %dma_start3A_283, %dma_start3A_284] : memref<3328x128x64xf32, #tpu.memory_space<hbm>> -> memref<4x128x64xf32, #tpu.memory_space<hbm>>
      %dma_start3A_286 = tpu.memref_slice %arg9[%select_n3A_181] : memref<2x!tpu.dma_semaphore, #tpu.memory_space<semaphore_mem>> -> memref<1x!tpu.dma_semaphore, #tpu.memory_space<semaphore_mem>>
      %dma_start3A_287 = tpu.memref_squeeze %dma_start3A_286 : memref<1x!tpu.dma_semaphore, #tpu.memory_space<semaphore_mem>> -> memref<!tpu.dma_semaphore, #tpu.memory_space<semaphore_mem>>
      %dma_start3A_288 = arith.constant 0 : i32
      %dma_start3A_289 = arith.constant 0 : i32
      %dma_start3A_290 = tpu.memref_slice %arg4[%add3A_277, %dma_start3A_288, %dma_start3A_289] : memref<3328x128x64xf32, #tpu.memory_space<hbm>> -> memref<4x128x64xf32, #tpu.memory_space<hbm>>
      %dma_start3A_291 = arith.constant 0 : i32
      %dma_start3A_292 = arith.constant 0 : i32
      %dma_start3A_293 = arith.constant 0 : i32
      %dma_start3A_294 = tpu.memref_slice %arg6[%select_n3A_181, %dma_start3A_291, %dma_start3A_292, %dma_start3A_293] : memref<2x4x128x64xf32, #tpu.memory_space<vmem>> -> memref<1x4x128x64xf32, #tpu.memory_space<vmem>>
      %dma_start3A_295 = tpu.memref_squeeze %dma_start3A_294 : memref<1x4x128x64xf32, #tpu.memory_space<vmem>> -> memref<4x128x64xf32, #tpu.memory_space<vmem>>
      tpu.enqueue_dma source(%dma_start3A_295 : memref<4x128x64xf32, #tpu.memory_space<vmem>>) target(%dma_start3A_290 : memref<4x128x64xf32, #tpu.memory_space<hbm>>) target_semaphore(%dma_start3A_287 : memref<!tpu.dma_semaphore, #tpu.memory_space<semaphore_mem>>)
    }
    %scan3A_127 = arith.constant 26 : i32
    %add3A_128 = arith.constant 100 : i32
    %add3A_129 = arith.addi %mul3A_2, %add3A_128 : i32
    %dma_wait3A_130 = arith.constant 1 : i32
    %dma_wait3A_131 = arith.constant 1 : i32
    %dma_wait3A_132 = arith.constant 0 : i32
    %dma_wait3A_133 = arith.constant 0 : i32
    %dma_wait3A_134 = arith.constant 0 : i32
    %dma_wait3A_135 = tpu.memref_slice %arg6[%dma_wait3A_130, %dma_wait3A_132, %dma_wait3A_133, %dma_wait3A_134] : memref<2x4x128x64xf32, #tpu.memory_space<vmem>> -> memref<1x4x128x64xf32, #tpu.memory_space<vmem>>
    %dma_wait3A_136 = tpu.memref_squeeze %dma_wait3A_135 : memref<1x4x128x64xf32, #tpu.memory_space<vmem>> -> memref<4x128x64xf32, #tpu.memory_space<vmem>>
    %dma_wait3A_137 = arith.constant 0 : i32
    %dma_wait3A_138 = arith.constant 0 : i32
    %dma_wait3A_139 = tpu.memref_slice %arg4[%add3A_129, %dma_wait3A_137, %dma_wait3A_138] : memref<3328x128x64xf32, #tpu.memory_space<hbm>> -> memref<4x128x64xf32, #tpu.memory_space<hbm>>
    %dma_wait3A_140 = tpu.memref_slice %arg9[%dma_wait3A_131] : memref<2x!tpu.dma_semaphore, #tpu.memory_space<semaphore_mem>> -> memref<1x!tpu.dma_semaphore, #tpu.memory_space<semaphore_mem>>
    %dma_wait3A_141 = tpu.memref_squeeze %dma_wait3A_140 : memref<1x!tpu.dma_semaphore, #tpu.memory_space<semaphore_mem>> -> memref<!tpu.dma_semaphore, #tpu.memory_space<semaphore_mem>>
    %dma_wait3A_142 = arith.constant 0 : i32
    %dma_wait3A_143 = arith.constant 0 : i32
    %dma_wait3A_144 = tpu.memref_slice %arg4[%add3A_129, %dma_wait3A_142, %dma_wait3A_143] : memref<3328x128x64xf32, #tpu.memory_space<hbm>> -> memref<4x128x64xf32, #tpu.memory_space<hbm>>
    %dma_wait3A_145 = arith.constant 0 : i32
    %dma_wait3A_146 = arith.constant 0 : i32
    %dma_wait3A_147 = arith.constant 0 : i32
    %dma_wait3A_148 = tpu.memref_slice %arg6[%dma_wait3A_130, %dma_wait3A_145, %dma_wait3A_146, %dma_wait3A_147] : memref<2x4x128x64xf32, #tpu.memory_space<vmem>> -> memref<1x4x128x64xf32, #tpu.memory_space<vmem>>
    %dma_wait3A_149 = tpu.memref_squeeze %dma_wait3A_148 : memref<1x4x128x64xf32, #tpu.memory_space<vmem>> -> memref<4x128x64xf32, #tpu.memory_space<vmem>>
    tpu.wait_dma2 semaphore(%dma_wait3A_141 : memref<!tpu.dma_semaphore, #tpu.memory_space<semaphore_mem>>) src(%dma_wait3A_149 : memref<4x128x64xf32, #tpu.memory_space<vmem>>) dst(%dma_wait3A_144 : memref<4x128x64xf32, #tpu.memory_space<hbm>>)
    %add3A_150 = arith.constant 96 : i32
    %add3A_151 = arith.addi %mul3A_2, %add3A_150 : i32
    %dma_wait3A_152 = arith.constant 0 : i32
    %dma_wait3A_153 = arith.constant 0 : i32
    %dma_wait3A_154 = arith.constant 0 : i32
    %dma_wait3A_155 = arith.constant 0 : i32
    %dma_wait3A_156 = arith.constant 0 : i32
    %dma_wait3A_157 = tpu.memref_slice %arg6[%dma_wait3A_152, %dma_wait3A_154, %dma_wait3A_155, %dma_wait3A_156] : memref<2x4x128x64xf32, #tpu.memory_space<vmem>> -> memref<1x4x128x64xf32, #tpu.memory_space<vmem>>
    %dma_wait3A_158 = tpu.memref_squeeze %dma_wait3A_157 : memref<1x4x128x64xf32, #tpu.memory_space<vmem>> -> memref<4x128x64xf32, #tpu.memory_space<vmem>>
    %dma_wait3A_159 = arith.constant 0 : i32
    %dma_wait3A_160 = arith.constant 0 : i32
    %dma_wait3A_161 = tpu.memref_slice %arg4[%add3A_151, %dma_wait3A_159, %dma_wait3A_160] : memref<3328x128x64xf32, #tpu.memory_space<hbm>> -> memref<4x128x64xf32, #tpu.memory_space<hbm>>
    %dma_wait3A_162 = tpu.memref_slice %arg9[%dma_wait3A_153] : memref<2x!tpu.dma_semaphore, #tpu.memory_space<semaphore_mem>> -> memref<1x!tpu.dma_semaphore, #tpu.memory_space<semaphore_mem>>
    %dma_wait3A_163 = tpu.memref_squeeze %dma_wait3A_162 : memref<1x!tpu.dma_semaphore, #tpu.memory_space<semaphore_mem>> -> memref<!tpu.dma_semaphore, #tpu.memory_space<semaphore_mem>>
    %dma_wait3A_164 = arith.constant 0 : i32
    %dma_wait3A_165 = arith.constant 0 : i32
    %dma_wait3A_166 = tpu.memref_slice %arg4[%add3A_151, %dma_wait3A_164, %dma_wait3A_165] : memref<3328x128x64xf32, #tpu.memory_space<hbm>> -> memref<4x128x64xf32, #tpu.memory_space<hbm>>
    %dma_wait3A_167 = arith.constant 0 : i32
    %dma_wait3A_168 = arith.constant 0 : i32
    %dma_wait3A_169 = arith.constant 0 : i32
    %dma_wait3A_170 = tpu.memref_slice %arg6[%dma_wait3A_152, %dma_wait3A_167, %dma_wait3A_168, %dma_wait3A_169] : memref<2x4x128x64xf32, #tpu.memory_space<vmem>> -> memref<1x4x128x64xf32, #tpu.memory_space<vmem>>
    %dma_wait3A_171 = tpu.memref_squeeze %dma_wait3A_170 : memref<1x4x128x64xf32, #tpu.memory_space<vmem>> -> memref<4x128x64xf32, #tpu.memory_space<vmem>>
    tpu.wait_dma2 semaphore(%dma_wait3A_163 : memref<!tpu.dma_semaphore, #tpu.memory_space<semaphore_mem>>) src(%dma_wait3A_171 : memref<4x128x64xf32, #tpu.memory_space<vmem>>) dst(%dma_wait3A_166 : memref<4x128x64xf32, #tpu.memory_space<hbm>>)
    return
  }
}

</mosaic_0001>

<sc_bundles>
// kernel: _gather_rows.3.cloned.1.call-start
scs
__scs_entry_jumppad:
0x0: {  	(pc) =	sbr.rel $0x88, $3  }
0x1: {  	(tag) =	ssettag $0x0;
	lr =	simm.s32 $0x1  }
0x2: {  	[smem:$0x3F9F] =	sst lr;
	_ =	strace $0xD0000000  }
0x3: {  	_ = 	snop  }
0x4: {  	_ = 	snop  }
0x5: {  	_ = 	snop  }
0x6: {  	_ = 	snop  }
0x7: {  	_ = 	snop  }
__scs_overlays_trampoline_lowered:
0x8: {  	[smem:$0x3FAE] =	sst s0  }
0x9: {  	[smem:$0x3FAF] =	sst s1  }
0xa: {  	[smem:$0x3FB0] =	sst s2  }
0xb: {  	[smem:$0x3FB1] =	sst s3  }
0xc: {  	[smem:$0x3FB2] =	sst s4  }
0xd: {  	[smem:$0x3FB3] =	sst s5  }
0xe: {  	[smem:$0x3FB4] =	sst s6  }
0xf: {  	[smem:$0x3FB5] =	sst s7  }
0x10: {  	[smem:$0x3FB6] =	sst s8  }
0x11: {  	[smem:$0x3FB7] =	sst s9;
	s0 =	simm.s32 @!p0 $0x0  }
0x12: {  	s1 =	sld [smem:$0x3F9D];
	s0 =	simm.s32 @p0 $0x1  }
0x13: {  	[smem:$0x3FB8] =	sst s0;
	s0 =	simm.s32 @!p1 $0x0  }
0x14: {  	s2 =	sld [smem:$0x3F9C];
	s0 =	simm.s32 @p1 $0x1  }
0x15: {  	[smem:$0x3FB9] =	sst s0;
	s0 =	simm.s32 @!p2 $0x0  }
0x16: {  	s3 =	sld [smem:$0x3FDB];
	s0 =	simm.s32 @p2 $0x1  }
0x17: {  	s4 =	simm.s32 $0x1BF5;
	[smem:$0x3FBB] =	sst s0  }
0x18: {  	s0 =	sld [smem:$0x3F9E];
	_ =	swait.ge [sflag:s4], $0x0  }
0x19: {  	s7 =	sld [smem:$0x3F9F]  }
0x1a: {  	s8 =	sadd.s32 $0xFFFFE003, lr  }
0x1b: {  	s9 =	sadd.s32 $0xFFFFFEF7, lr;
	s5 =	simm.s32 $0xFFFFFFFF;
	p2 =	slt.u32 s8, $0xFFFFF086  }
0x1c: {  	p1 =	slt.u32 s9, $0xF7A;
	s5 =	simm.s32 @!p2 $0x0  }
0x1d: {  	s5 =	simm.s32 @p1 $0x1;
	p0 =	seq.s32 s7, s2  }
0x1e: {  	s7 =	smul.u32 @!p0 $0xF7A, s2;
	p2 =	seq.s32 @!p0 s5, $0x0  }
0x1f: {  	s9 =	smul.u32 $0xF7A, s1;
	s8 =	simm.s32 @!p0 $0x1BF5;
	p2 =	por !p2, p0  }
0x20: {  	[sflag:s8] =	ssyncset.s32 @!p0 $0xFFFFF086;
	s6 =	sadd.s32 @!p0 s3, s7;
	s7 =	simm.s32 @!p0 $0x108  }
0x21: {  	s3 =	sadd.s32 s3, s9;
	s6 =	sadd.s32 @!p0 $0x88, s6;
	s7 =	simm.s32 @p2 $0x1082  }
0x22: {  	[simem:s7], [sflag:s8] =	dma.local @!p0 [hbm:s6], $0xF7A  }
0x23: {  	s9 =	sor.u32 $0xD0000000, s2;
	s6 =	simm.s32 $0x108;
	_ =	swait.ge @!p0 [sflag:s8], $0x0  }
0x24: {  	s3 =	sadd.s32 $0x88, s3;
	s6 =	simm.s32 @!p1 $0x1082;
	[sflag:s4] =	ssyncset.s32 $0xFFFFF086  }
0x25: {  	[simem:s6], [sflag:s4] =	dma.local [hbm:s3], $0xF7A  }
0x26: {  	[smem:$0x3F9F] =	sst s1;
	(tag) =	ssettag s2;
	_ =	strace s9  }
0x27: {  	s1 =	sld [smem:$0x3FAF]  }
0x28: {  	s2 =	sld [smem:$0x3FB0]  }
0x29: {  	s4 =	sld [smem:$0x3FB2]  }
0x2a: {  	p0 =	seq.s32 s5, $0x0;
	s5 =	sld [smem:$0x3FB3]  }
0x2b: {  	s6 =	sld [smem:$0x3FB4]  }
0x2c: {  	s7 =	sld [smem:$0x3FB5]  }
0x2d: {  	s3 =	simm.s32 $0x108;
	s8 =	sld [smem:$0x3FB6]  }
0x2e: {  	s3 =	simm.s32 @!p0 $0x1082;
	s9 =	sld [smem:$0x3FB7]  }
0x2f: {  	lr =	sadd.s32 s0, s3;
	s0 =	sld [smem:$0x3FAE]  }
0x30: {  	s3 =	sld [smem:$0x3FB1]  }
0x31: {  	[smem:$0x3FBA] =	sst s10  }
0x32: {  	s10 =	sld [smem:$0x3FB8];
	_ =	sdelay $0x3  }
0x33: {  	p0 =	seq.s32 s10, $0x1;
	s10 =	sld [smem:$0x3FBA];
	_ =	sdelay $0x3  }
0x34: {  	[smem:$0x3FBA] =	sst s10  }
0x35: {  	s10 =	sld [smem:$0x3FB9];
	_ =	sdelay $0x3  }
0x36: {  	p1 =	seq.s32 s10, $0x1;
	s10 =	sld [smem:$0x3FBA];
	_ =	sdelay $0x3  }
0x37: {  	[smem:$0x3FBA] =	sst s10  }
0x38: {  	s10 =	sld [smem:$0x3FBB]  }
0x39: {  	_ = 	snop;
	(pc) =	sbr.ind lr, $3  }
0x3a: {  	_ = 	snop  }
0x3b: {  	_ = 	snop  }
0x3c: {  	p2 =	seq.s32 s10, $0x1;
	s10 =	sld [smem:$0x3FBA]  }
0x3d: {  	_ =	shalt  }
0x3e: {  	_ =	shalt  }
0x3f: {  	_ =	shalt  }
0x40: {  	_ =	shalt  }
0x41: {  	_ =	shalt  }
0x42: {  	_ =	shalt  }
0x43: {  	_ =	shalt  }
0x44: {  	_ =	shalt  }
0x45: {  	_ =	shalt  }
0x46: {  	_ =	shalt  }
0x47: {  	_ =	shalt  }
0x48: {  	_ =	shalt  }
0x49: {  	_ =	shalt  }
0x4a: {  	_ =	shalt  }
0x4b: {  	_ =	shalt  }
0x4c: {  	_ =	shalt  }
0x4d: {  	_ =	shalt  }
0x4e: {  	_ =	shalt  }
0x4f: {  	_ =	shalt  }
0x50: {  	_ =	shalt  }
0x51: {  	_ =	shalt  }
0x52: {  	_ =	shalt  }
0x53: {  	_ =	shalt  }
0x54: {  	_ =	shalt  }
0x55: {  	_ =	shalt  }
0x56: {  	_ =	shalt  }
0x57: {  	_ =	shalt  }
0x58: {  	_ =	shalt  }
0x59: {  	_ =	shalt  }
0x5a: {  	_ =	shalt  }
0x5b: {  	_ =	shalt  }
0x5c: {  	_ =	shalt  }
0x5d: {  	_ =	shalt  }
0x5e: {  	_ =	shalt  }
0x5f: {  	_ =	shalt  }
0x60: {  	_ =	shalt  }
0x61: {  	_ =	shalt  }
0x62: {  	_ =	shalt  }
0x63: {  	_ =	shalt  }
0x64: {  	_ =	shalt  }
0x65: {  	_ =	shalt  }
0x66: {  	_ =	shalt  }
0x67: {  	_ =	shalt  }
0x68: {  	_ =	shalt  }
0x69: {  	_ =	shalt  }
0x6a: {  	_ =	shalt  }
0x6b: {  	_ =	shalt  }
0x6c: {  	_ =	shalt  }
0x6d: {  	_ =	shalt  }
0x6e: {  	_ =	shalt  }
0x6f: {  	_ =	shalt  }
0x70: {  	_ =	shalt  }
0x71: {  	_ =	shalt  }
0x72: {  	_ =	shalt  }
0x73: {  	_ =	shalt  }
0x74: {  	_ =	shalt  }
0x75: {  	_ =	shalt  }
0x76: {  	_ =	shalt  }
0x77: {  	_ =	shalt  }
0x78: {  	_ =	shalt  }
0x79: {  	_ =	shalt  }
0x7a: {  	_ =	shalt  }
0x7b: {  	_ =	shalt  }
0x7c: {  	_ =	shalt  }
0x7d: {  	_ =	shalt  }
0x7e: {  	_ =	shalt  }
0x7f: {  	_ =	shalt  }
0x80: {  	_ =	shalt  }
0x81: {  	_ =	shalt  }
0x82: {  	_ =	shalt  }
0x83: {  	_ =	shalt  }
0x84: {  	_ =	shalt  }
0x85: {  	_ =	shalt  }
0x86: {  	_ =	shalt  }
0x87: {  	_ =	shalt  }
.Lfunc_end0:
.L_simem_size_0:
called_computation.1_lowered:
.L_overlay_start_0:
0x88: {  	s2 =	sld [smem:$0x3FD9]  }
0x89: {  	s3 =	sld [smem:$0x3FFE];
	_ =	sdelay $0x1  }
0x8a: {  	s1 =	srdreg.scid  }
0x8b: {  	s0 =	sand.u32 $0x1, s1  }
0x8c: {  	s17 =	sshll.u32 s0, $0xA;
	s2 =	sadd.s32 s3, s2  }
0x8d: {  	s2 =	sadd.s32 s2, s17  }
0x8e: {  	[smem:$0x3FC6] =	sst s2  }
0x8f: {  	_ = 	snop  }
0x90: {  	s2 =	sld [smem:$0x3FC8]  }
0x91: {  	s18 =	sld [smem:$0x3FD0];
	(tm) =	ssettm $0x1  }
0x92: {  	s4 =	sld [smem:$0x3FFB];
	_ =	sdelay $0x3  }
0x93: {  	_ =	strace s4  }
0x94: {  	s4 =	sld [smem:$0x3FFC];
	_ =	sdelay $0x3  }
0x95: {  	_ =	strace s4  }
0x96: {  	s4 =	sld [smem:$0x3FFD];
	_ =	sdelay $0x3  }
0x97: {  	_ =	strace s4  }
0x98: {  	_ =	strace $0x8FFFFFFF  }
0x99: {  	s19 =	sld [smem:$0x3FDB];
	_ =	sdelay $0x1  }
0x9a: {  	s5 =	simm.s32 $_scs_section_size  }
0x9b: {  	s6 =	simm.s32 $_size__tile_overlayer_lowered;
	s7 =	simm.s32 $_tile_overlayer_lowered  }
0x9c: {  	s22 =	simm.s32 $0x1BFF;
	s21 =	sshll.u32 s7, $0x1;
	s4 =	sadd.s32 s5, s19  }
0x9d: {  	s8 =	simm.s32 $0x0;
	s20 =	sshll.u32 s6, $0x1;
	s6 =	sadd.s32 s21, s4  }
0x9e: {  	[timem:s8], [sflag:s22] =	dma.local [hbm:s6], s20  }
0x9f: {  	_ =	swait.ge [sflag:s22], s20  }
0xa0: {  	s5 =	ssub.s32 $0x0, s20;
	[sflag:s22] =	ssyncset.done $0x0  }
0xa1: {  	[sflag:s22] =	ssyncadd.s32 s5;
	_ =	sdelay $0x1  }
0xa2: {  	s23 =	simm.s32 $0x1B8B  }
0xa3: {  	_ =	swait.ge [sflag:s23], $0x1  }
0xa4: {  	[sflag:s23] =	ssyncset.done $0x0  }
0xa5: {  	s25 =	simm.s32 $0x1B8E;
	s24 =	sld [smem:$0x3FFE];
	[sflag:s23] =	ssyncadd.s32 $0xFFFFFFFF  }
0xa6: {  	s26 =	simm.s32 $execute0_lowered;
	[smem:$0x3FD2] =	sst s25  }
0xa7: {  	s6 =	sshll.u32 s26, $0x1;
	_ =	strace $0x80000046;
	[dreg:$0x1] =	wrdreg $0xFFFFFFFF  }
0xa8: {  	s28 =	simm.s32 $_size_execute0_lowered;
	s4 =	sadd.s32 s4, s6;
	[dreg:$0x0] =	wrdreg $0x0  }
0xa9: {  	s6 =	sshll.u32 s28, $0x1;
	[dreg:$0x2] =	wrdreg s4  }
0xaa: {  	[dreg:$0x3] =	wrdreg s6  }
0xab: {  	[dreg:$0x4] =	wrdreg $0xC0  }
0xac: {  	_ =	task [dreg:s8], $0x5FFFF  }
0xad: {  	[dreg:$0x1] =	wrdreg $0xFFFFFFFF  }
0xae: {  	[dreg:$0x0] =	wrdreg $0x60  }
0xaf: {  	[dreg:$0x2] =	wrdreg s24  }
0xb0: {  	[dreg:$0x3] =	wrdreg s2  }
0xb1: {  	[dreg:$0x4] =	wrdreg s18  }
0xb2: {  	[dreg:$0x5] =	wrdreg $0x9  }
0xb3: {  	_ =	task.clear_ibuf [dreg:s8], $0x6FFFF;
	_ =	strace $0x90000046  }
0xb4: {  	s29 =	simm.s32 $0x9;
	_ =	strace $0x80000048  }
0xb5: {  	_ =	swait.ge [sflag:s29], $0x1  }
0xb6: {  	[sflag:s29] =	ssyncadd.s32 $0xFFFFFFFF  }
0xb7: {  	_ =	strace $0x90000048  }
0xb8: {  	_ =	sfence  }
0xb9: {  	s30 =	sld [smem:$0x0];
	_ =	sdelay $0x2  }
0xba: {  	s31 =	sshll.u32 s1, $0xD;
	s1 =	sshrl.u32 s1, $0x2  }
0xbb: {  	s3 =	sand.u32 $0x4000, s31;
	s1 =	sadd.s32 s1, s30  }
0xbc: {  	s0 =	sor.u32 s3, s0;
	s1 =	sshll.u32 s1, $0x11  }
0xbd: {  	s0 =	sor.u32 s1, s0  }
0xbe: {  	s0 =	sadd.s32 $0x8F2B, s0  }
0xbf: {  	[sflag:s0] =	ssyncadd.remote.s32 $0x1  }
0xc0: {  	_ =	sfence.sel $0xFFFF  }
0xc1: {  	[dreg:$0x0] =	wrdreg $0xFFFFFFFF;
	(pc) =	sbr.abs _section_cstart, $3  }
0xc2: {  	[dreg:$0x1] =	wrdreg $0xFFFFFFFF  }
0xc3: {  	_ =	task.clear_ibuf [dreg:s8], $0x2FFFF;
	_ =	strace $0x9FFFFFFF  }
0xc4: {  	(tm) =	ssettm $0x7FFFFFFF  }
0xc5: {  	_ =	shalt  }
tec
execute0_lowered:
.L_overlay_start_1:
0x0: {  	(tag) =	ssettag $0x1  }
0x1: {  	s0 =	rddreg [dreg:$0x0];
	s1 =	srdreg.scid  }
0x2: {  	s12 =	stileid.u32;
	s10 =	rddreg [dreg:$0x1]  }
0x3: {  	s11 =	rddreg [dreg:$0x2];
	s14 =	simm.s32 $0x80;
	s15 =	simm.s32 $0x400  }
0x4: {  	s21 =	simm.s32 $0x3;
	s22 =	simm.s32 $0x8400;
	s8 =	smul.u32 $0x6800, s12  }
0x5: {  	s1 =	sand.u32 $0x1, s1;
	s2 =	sshll.u32 s12, $0x1;
	s12 =	smul.u32 $0x1A0000, s12  }
0x6: {  	s30 =	simm.s32 $0x4;
	s31 =	simm.s32 $0x6;
	s9 =	smul.u32 $0x3400, s1  }
0x7: {  	s6 =	sor.u32 s1, s2;
	s5 =	ssub.s32 $0x2, s1;
	s1 =	smul.u32 $0xD0000, s1  }
0x8: {  	s3 =	sadd.s32 $0xF42C00, s0;
	s2 =	simm.s32 $0x0;
	s4 =	smul.u32 $0x680, s6  }
0x9: {  	[smem:$0x7FF] =	sst s2;
	s7 =	smul.u32 $0x3400, s6;
	s24 =	sshrl.u32 s5, $0x1  }
0xa: {  	s13 =	smul.u32 $0xD0000, s6;
	_ =	strace $0x80000047;
	s0 =	ssub.s32 s5, s24  }
0xb: {  	s28 =	sadd.s32 s9, s8;
	s1 =	sadd.s32 s1, s12;
	s12 =	simm.s32 $0x200  }
0xc: {  	s4 =	sadd.s32 s10, s4;
	s7 =	sshrl.u32 s7, $0x3;
	s0 =	smax.u32 s0, $0x1  }
0xd: {  	s29 =	sshrl.u32 s13, $0x3;
	s1 =	sor.u32 $0x8000, s1;
	s13 =	simm.s32 $0x1  }
0xe: {  	s25 =	sadd.s32 $0x40, s4;
	[dreg:$0x5] =	wrdreg s0;
	s26 =	sadd.s32 s10, s7  }
0xf: {  	s8 =	sadd.s32 s11, s29;
	[dreg:$0x4] =	wrdreg s25;
	s0 =	sadd.s32 $0x80, s26  }
0x10: {  	s1 =	sshrl.u32 s1, $0x3;
	[dreg:$0x6] =	wrdreg s0;
	s0 =	sadd.s32 $0x600, s28  }
0x11: {  	s9 =	sadd.s32 $0x19000, s8;
	s20 =	sadd.s32 s1, s11;
	s0 =	sshrl.u32 s0, $0x3  }
0x12: {  	s1 =	simm.s32 $0x5;
	s17 =	sadd.s32 s0, s10;
	s0 =	simm.s32 $0x0  }
.LBB2_1:
0x13: {  	[tilespmem:s2], [sflag:$0x1] =	stream.linear.gather [hbm4b:s4+s2], $0x200, $0x38;
	[tilespmem:$0x10400] =	vst v63  }
0x14: {  	s5 =	rddreg [dreg:$0x4]  }
0x15: {  	[tilespmem:s12], [sflag:$0x2] =	stream.linear.gather [hbm4b:s5+s2], $0x200, $0x38;
	[tilespmem:$0x10400] =	vst v63  }
0x16: {  	_ =	swait.ge [sflag:s13], $0x200  }
0x17: {  	[sflag:s13] =	ssyncset.done $0x0  }
0x18: {  	[sflag:s13] =	ssyncadd.s32 $0xFFFFFE00  }
0x19: {  	[tilespmem:s15], [sflag:$0x3] =	stream.indirect.gather [hbm4b:s3+s14], $0x40, s2, s14, $0xb8;
	[tilespmem:$0x10400] =	vst v63  }
0x1a: {  	s10 =	simm.s32 $0x2400  }
0x1b: {  	[tilespmem:s10], [sflag:$0x3] =	stream.indirect.gather [hbm4b:s3+s14], $0x40, s14, s14, $0xb8;
	[tilespmem:$0x10400] =	vst v63  }
0x1c: {  	s11 =	simm.s32 $0x100;
	s6 =	simm.s32 $0x4400  }
0x1d: {  	[tilespmem:s6], [sflag:$0x3] =	stream.indirect.gather [hbm4b:s3+s14], $0x40, s11, s14, $0xb8;
	[tilespmem:$0x10400] =	vst v63  }
0x1e: {  	s16 =	simm.s32 $0x180;
	s18 =	simm.s32 $0x6400;
	s10 =	simm.s32 $0x2  }
0x1f: {  	[tilespmem:s18], [sflag:$0x3] =	stream.indirect.gather [hbm4b:s3+s14], $0x40, s16, s14, $0xb8;
	[tilespmem:$0x10400] =	vst v63  }
0x20: {  	_ =	swait.ge [sflag:s10], $0x200  }
0x21: {  	[sflag:s10] =	ssyncset.done $0x0  }
0x22: {  	[sflag:s10] =	ssyncadd.s32 $0xFFFFFE00  }
0x23: {  	_ =	swait.ge [sflag:s21], $0x2000  }
0x24: {  	[sflag:s21] =	ssyncset.done $0x0  }
0x25: {  	[sflag:s21] =	ssyncadd.s32 $0xFFFFE000  }
0x26: {  	_ =	swait.ge [sflag:s21], $0x2000  }
0x27: {  	[sflag:s21] =	ssyncset.done $0x0  }
0x28: {  	[sflag:s21] =	ssyncadd.s32 $0xFFFFE000  }
0x29: {  	_ =	swait.ge [sflag:s21], $0x2000  }
0x2a: {  	[sflag:s21] =	ssyncset.done $0x0  }
0x2b: {  	[sflag:s21] =	ssyncadd.s32 $0xFFFFE000  }
0x2c: {  	_ =	swait.ge [sflag:s21], $0x2000  }
0x2d: {  	[sflag:s21] =	ssyncset.done $0x0  }
0x2e: {  	s19 =	rddreg [dreg:$0x6];
	[sflag:s21] =	ssyncadd.s32 $0xFFFFE000  }
0x2f: {  	[tilespmem:s2], [sflag:$0x1] =	stream.linear.gather [hbm4b:s19+s2], $0x200, $0x38;
	[tilespmem:$0x10400] =	vst v63  }
0x30: {  	_ = 	snop  }
0x31: {  	[tilespmem:s22], [sflag:$0x4] =	stream.indirect.gather [hbm4b:s3+s14], $0x40, s12, s14, $0xb8;
	[tilespmem:$0x10400] =	vst v63  }
0x32: {  	s23 =	simm.s32 $0x280;
	s24 =	simm.s32 $0xA400  }
0x33: {  	[tilespmem:s24], [sflag:$0x4] =	stream.indirect.gather [hbm4b:s3+s14], $0x40, s23, s14, $0xb8;
	[tilespmem:$0x10400] =	vst v63  }
0x34: {  	s25 =	simm.s32 $0x300;
	s26 =	simm.s32 $0xC400  }
0x35: {  	[tilespmem:s26], [sflag:$0x4] =	stream.indirect.gather [hbm4b:s3+s14], $0x40, s25, s14, $0xb8;
	[tilespmem:$0x10400] =	vst v63  }
0x36: {  	s28 =	simm.s32 $0x380;
	s29 =	simm.s32 $0xE400;
	s10 =	sand.u32 $0x1, s10  }
0x37: {  	[tilespmem:s29], [sflag:$0x4] =	stream.indirect.gather [hbm4b:s3+s14], $0x40, s28, s14, $0xb8;
	[tilespmem:$0x10400] =	vst v63  }
0x38: {  	s11 =	sadd.s32 $0x1, s10  }
0x39: {  	[hbm4b:s8+s2] =	stream.linear.scatter [tilespmem:s15], [sflag:$0x5], $0x8000, $0x38;
	[tilespmem:$0x10400] =	vst v63  }
0x3a: {  	s16 =	simm.s32 $0x1;
	_ =	swait.ge [sflag:s11], $0x200  }
0x3b: {  	s16 =	sand.u32 $0x1, s16;
	[sflag:s11] =	ssyncset.done $0x0  }
0x3c: {  	s18 =	sadd.s32 $0x3, s16;
	[sflag:s11] =	ssyncadd.s32 $0xFFFFFE00  }
0x3d: {  	_ =	swait.ge [sflag:s18], $0x2000  }
0x3e: {  	[sflag:s18] =	ssyncset.done $0x0  }
0x3f: {  	[sflag:s18] =	ssyncadd.s32 $0xFFFFE000  }
0x40: {  	_ =	swait.ge [sflag:s18], $0x2000  }
0x41: {  	[sflag:s18] =	ssyncset.done $0x0  }
0x42: {  	[sflag:s18] =	ssyncadd.s32 $0xFFFFE000  }
0x43: {  	_ =	swait.ge [sflag:s18], $0x2000  }
0x44: {  	[sflag:s18] =	ssyncset.done $0x0  }
0x45: {  	[sflag:s18] =	ssyncadd.s32 $0xFFFFE000  }
0x46: {  	p0 =	por $0x0, $0x0;
	_ =	swait.ge [sflag:s18], $0x2000  }
0x47: {  	s19 =	sadd.s32 @!p0 $0x1, s16;
	s23 =	sadd.s32 $0x5, s10;
	[sflag:s18] =	ssyncset.done $0x0  }
0x48: {  	s11 =	sshll.u32 @!p0 s16, $0x9;
	[sflag:s18] =	ssyncadd.s32 $0xFFFFE000;
	s18 =	simm.s32 @!p0 $0x0  }
0x49: {  	[tilespmem:s11], [sflag:s19] =	stream.linear.gather @!p0 [hbm4b:s17+s18], $0x200, $0x38;
	[tilespmem:$0x10400] =	vst v63  }
0x4a: {  	s5 =	sshll.u32 s10, $0xF;
	s6 =	sadd.s32 $0x3, s10;
	_ =	swait.ge [sflag:s23], $0x8000  }
0x4b: {  	s7 =	sor.u32 $0x400, s5;
	s10 =	sshll.u32 s10, $0x9;
	[sflag:s23] =	ssyncset.done $0x0  }
0x4c: {  	s24 =	sor.u32 $0x2400, s5;
	s25 =	sor.u32 $0x80, s10;
	[sflag:s23] =	ssyncadd.s32 $0xFFFF8000  }
0x4d: {  	[tilespmem:s7], [sflag:s6] =	stream.indirect.gather [hbm4b:s3+s14], $0x40, s10, s14, $0xb8;
	[tilespmem:$0x10400] =	vst v63  }
0x4e: {  	s26 =	sor.u32 $0x4400, s5;
	s28 =	sor.u32 $0x100, s10;
	s29 =	sshll.u32 s16, $0xF  }
0x4f: {  	[tilespmem:s24], [sflag:s6] =	stream.indirect.gather [hbm4b:s3+s14], $0x40, s25, s14, $0xb8;
	[tilespmem:$0x10400] =	vst v63  }
0x50: {  	s11 =	sor.u32 $0x6400, s5;
	s19 =	simm.s32 $0x3;
	s18 =	simm.s32 $0x4  }
0x51: {  	[tilespmem:s26], [sflag:s6] =	stream.indirect.gather [hbm4b:s3+s14], $0x40, s28, s14, $0xb8;
	[tilespmem:$0x10400] =	vst v63  }
0x52: {  	s23 =	sadd.s32 $0x5, s16;
	s16 =	sadd.s32 $0x1000, s20;
	s10 =	sor.u32 $0x180, s10  }
0x53: {  	[tilespmem:s11], [sflag:s6] =	stream.indirect.gather [hbm4b:s3+s14], $0x40, s10, s14, $0xb8;
	[tilespmem:$0x10400] =	vst v63  }
0x54: {  	s24 =	sor.u32 $0x400, s29;
	s10 =	smov.u32 s17;
	s11 =	smov.u32 s20  }
.LBB2_2:
0x55: {  	s25 =	sand.u32 $0x1, s19  }
0x56: {  	s10 =	sadd.s32 $0x40, s10;
	s26 =	smov.u32 s18;
	s18 =	sadd.s32 $0x1, s18  }
0x57: {  	s28 =	sadd.s32 $0xFFFFFFFF, s19;
	p0 =	sne.s32 s18, $0x1A;
	s29 =	sadd.s32 $0x1, s25  }
0x58: {  	[hbm4b:s11+s2] =	stream.linear.scatter [tilespmem:s24], [sflag:s23], $0x8000, $0x38;
	[tilespmem:$0x10400] =	vst v63  }
0x59: {  	s19 =	smov.u32 s26;
	s23 =	sand.u32 $0x1, s28;
	_ =	swait.ge [sflag:s29], $0x200  }
0x5a: {  	s24 =	sadd.s32 $0x3, s23;
	s26 =	sshll.u32 s23, $0xF;
	[sflag:s29] =	ssyncset.done $0x0  }
0x5b: {  	s11 =	smov.u32 s16;
	[sflag:s29] =	ssyncadd.s32 $0xFFFFFE00  }
0x5c: {  	_ =	swait.ge [sflag:s24], $0x2000  }
0x5d: {  	[sflag:s24] =	ssyncset.done $0x0  }
0x5e: {  	[sflag:s24] =	ssyncadd.s32 $0xFFFFE000  }
0x5f: {  	_ =	swait.ge [sflag:s24], $0x2000  }
0x60: {  	[sflag:s24] =	ssyncset.done $0x0  }
0x61: {  	[sflag:s24] =	ssyncadd.s32 $0xFFFFE000  }
0x62: {  	_ =	swait.ge [sflag:s24], $0x2000  }
0x63: {  	[sflag:s24] =	ssyncset.done $0x0  }
0x64: {  	[sflag:s24] =	ssyncadd.s32 $0xFFFFE000  }
0x65: {  	p1 =	sgt.u32 s28, $0x17;
	_ =	swait.ge [sflag:s24], $0x2000  }
0x66: {  	s28 =	sshll.u32 @!p1 s23, $0x9;
	s29 =	sadd.s32 @!p1 $0x1, s23;
	[sflag:s24] =	ssyncset.done $0x0  }
0x67: {  	s5 =	sadd.s32 $0x5, s25;
	[sflag:s24] =	ssyncadd.s32 $0xFFFFE000;
	s24 =	simm.s32 @!p1 $0x0  }
0x68: {  	[tilespmem:s28], [sflag:s29] =	stream.linear.gather @!p1 [hbm4b:s10+s24], $0x200, $0x38;
	[tilespmem:$0x10400] =	vst v63  }
0x69: {  	s24 =	sshll.u32 s25, $0xF;
	s28 =	sadd.s32 $0x3, s25;
	_ =	swait.ge [sflag:s5], $0x8000  }
0x6a: {  	s25 =	sshll.u32 s25, $0x9;
	s29 =	sor.u32 $0x400, s24;
	[sflag:s5] =	ssyncset.done $0x0  }
0x6b: {  	s6 =	sor.u32 $0x80, s25;
	[sflag:s5] =	ssyncadd.s32 $0xFFFF8000;
	s5 =	sor.u32 $0x2400, s24  }
0x6c: {  	[tilespmem:s29], [sflag:s28] =	stream.indirect.gather [hbm4b:s3+s14], $0x40, s25, s14, $0xb8;
	[tilespmem:$0x10400] =	vst v63  }
0x6d: {  	s7 =	sor.u32 $0x100, s25;
	s29 =	sor.u32 $0x4400, s24  }
0x6e: {  	[tilespmem:s5], [sflag:s28] =	stream.indirect.gather [hbm4b:s3+s14], $0x40, s6, s14, $0xb8;
	[tilespmem:$0x10400] =	vst v63  }
.Ltmp0:
0x6f: {  	_ = 	snop;
	(pc) =	sbr.rel @p0 .LBB2_2-.Ltmp0, $4  }
0x70: {  	s5 =	sor.u32 $0x6400, s24;
	s6 =	sor.u32 $0x180, s25  }
0x71: {  	[tilespmem:s29], [sflag:s28] =	stream.indirect.gather [hbm4b:s3+s14], $0x40, s7, s14, $0xb8;
	[tilespmem:$0x10400] =	vst v63  }
0x72: {  	s16 =	sadd.s32 $0x1000, s16;
	s23 =	sadd.s32 $0x5, s23;
	s24 =	sor.u32 $0x400, s26  }
0x73: {  	[tilespmem:s5], [sflag:s28] =	stream.indirect.gather [hbm4b:s3+s14], $0x40, s6, s14, $0xb8;
	[tilespmem:$0x10400] =	vst v63  }
0x74: {  	s5 =	sand.u32 $0x1, s19  }
0x75: {  	[hbm4b:s11+s2] =	stream.linear.scatter [tilespmem:s24], [sflag:s23], $0x8000, $0x38;
	[tilespmem:$0x10400] =	vst v63  }
0x76: {  	s6 =	sadd.s32 $0x1, s5  }
0x77: {  	s7 =	sadd.s32 $0xFFFFFFFF, s19;
	_ =	swait.ge [sflag:s6], $0x200  }
0x78: {  	s11 =	sand.u32 $0x1, s7;
	[sflag:s6] =	ssyncset.done $0x0  }
0x79: {  	s18 =	sadd.s32 $0x3, s11;
	[sflag:s6] =	ssyncadd.s32 $0xFFFFFE00  }
0x7a: {  	_ =	swait.ge [sflag:s18], $0x2000  }
0x7b: {  	[sflag:s18] =	ssyncset.done $0x0  }
0x7c: {  	[sflag:s18] =	ssyncadd.s32 $0xFFFFE000  }
0x7d: {  	_ =	swait.ge [sflag:s18], $0x2000  }
0x7e: {  	[sflag:s18] =	ssyncset.done $0x0  }
0x7f: {  	[sflag:s18] =	ssyncadd.s32 $0xFFFFE000  }
0x80: {  	_ =	swait.ge [sflag:s18], $0x2000  }
0x81: {  	[sflag:s18] =	ssyncset.done $0x0  }
0x82: {  	[sflag:s18] =	ssyncadd.s32 $0xFFFFE000  }
0x83: {  	p0 =	sgt.u32 s7, $0x17;
	s25 =	sadd.s32 $0x5, s5;
	_ =	swait.ge [sflag:s18], $0x2000  }
0x84: {  	s7 =	sshll.u32 @!p0 s11, $0x9;
	s6 =	sadd.s32 $0x40, s10;
	[sflag:s18] =	ssyncset.done $0x0  }
0x85: {  	s10 =	sadd.s32 @!p0 $0x1, s11;
	[sflag:s18] =	ssyncadd.s32 $0xFFFFE000;
	s18 =	simm.s32 @!p0 $0x0  }
0x86: {  	[tilespmem:s7], [sflag:s10] =	stream.linear.gather @!p0 [hbm4b:s6+s18], $0x200, $0x38;
	[tilespmem:$0x10400] =	vst v63  }
0x87: {  	_ =	swait.ge [sflag:s25], $0x8000  }
0x88: {  	s26 =	sshll.u32 s5, $0xF;
	s28 =	sadd.s32 $0x3, s5;
	[sflag:s25] =	ssyncset.done $0x0  }
0x89: {  	s5 =	sshll.u32 s5, $0x9;
	s29 =	sor.u32 $0x400, s26;
	[sflag:s25] =	ssyncadd.s32 $0xFFFF8000  }
0x8a: {  	[tilespmem:s29], [sflag:s28] =	stream.indirect.gather [hbm4b:s3+s14], $0x40, s5, s14, $0xb8;
	[tilespmem:$0x10400] =	vst v63  }
0x8b: {  	s19 =	sor.u32 $0x80, s5;
	s18 =	sor.u32 $0x2400, s26  }
0x8c: {  	[tilespmem:s18], [sflag:s28] =	stream.indirect.gather [hbm4b:s3+s14], $0x40, s19, s14, $0xb8;
	[tilespmem:$0x10400] =	vst v63  }
0x8d: {  	s23 =	sor.u32 $0x4400, s26;
	s24 =	sor.u32 $0x100, s5  }
0x8e: {  	[tilespmem:s23], [sflag:s28] =	stream.indirect.gather [hbm4b:s3+s14], $0x40, s24, s14, $0xb8;
	[tilespmem:$0x10400] =	vst v63  }
0x8f: {  	s6 =	sor.u32 $0x6400, s26;
	s25 =	sshll.u32 s11, $0xF;
	s5 =	sor.u32 $0x180, s5  }
0x90: {  	[tilespmem:s6], [sflag:s28] =	stream.indirect.gather [hbm4b:s3+s14], $0x40, s5, s14, $0xb8;
	[tilespmem:$0x10400] =	vst v63  }
0x91: {  	s26 =	sadd.s32 $0x5, s11;
	s28 =	sor.u32 $0x400, s25  }
0x92: {  	[hbm4b:s16+s2] =	stream.linear.scatter [tilespmem:s28], [sflag:s26], $0x8000, $0x38;
	[tilespmem:$0x10400] =	vst v63  }
0x93: {  	_ =	swait.ge [sflag:s30], $0x2000  }
0x94: {  	[sflag:s30] =	ssyncset.done $0x0  }
0x95: {  	[sflag:s30] =	ssyncadd.s32 $0xFFFFE000  }
0x96: {  	_ =	swait.ge [sflag:s30], $0x2000  }
0x97: {  	[sflag:s30] =	ssyncset.done $0x0  }
0x98: {  	[sflag:s30] =	ssyncadd.s32 $0xFFFFE000  }
0x99: {  	_ =	swait.ge [sflag:s30], $0x2000  }
0x9a: {  	[sflag:s30] =	ssyncset.done $0x0  }
0x9b: {  	[sflag:s30] =	ssyncadd.s32 $0xFFFFE000  }
0x9c: {  	_ =	swait.ge [sflag:s30], $0x2000  }
0x9d: {  	[sflag:s30] =	ssyncset.done $0x0  }
0x9e: {  	[sflag:s30] =	ssyncadd.s32 $0xFFFFE000  }
0x9f: {  	[hbm4b:s9+s2] =	stream.linear.scatter [tilespmem:s22], [sflag:$0x6], $0x8000, $0x38;
	[tilespmem:$0x10400] =	vst v63  }
0xa0: {  	_ =	swait.ge [sflag:s31], $0x8000  }
0xa1: {  	[sflag:s31] =	ssyncset.done $0x0  }
0xa2: {  	[sflag:s31] =	ssyncadd.s32 $0xFFFF8000  }
0xa3: {  	_ =	swait.ge [sflag:s1], $0x8000  }
0xa4: {  	s0 =	sadd.s32 $0x1, s0;
	s29 =	rddreg [dreg:$0x5]  }
0xa5: {  	p0 =	sne.s32 s0, s29  }
.Ltmp1:
0xa6: {  	_ = 	snop;
	(pc) =	sbr.rel @p0 .LBB2_1-.Ltmp1, $3  }
0xa7: {  	_ =	sdelay $0x1  }
0xa8: {  	[sflag:s1] =	ssyncset.done $0x0  }
0xa9: {  	[sflag:s1] =	ssyncadd.s32 $0xFFFF8000  }
0xaa: {  	_ =	sfence.sel $0x180000  }
0xab: {  	[bflag:$0x0] =	sbarrier.arrive $0xFFFF  }
0xac: {  	_ =	strace $0x90000047  }
0xad: {  	s0 =	stileid.u32;
	[bflag:$0x2] =	sbarrier.arrive $0xFFFF  }
0xae: {  	p0 =	sne.s32 s0, $0x0;
	s0 =	rddreg [dreg:$0x3]  }
0xaf: {  	s0 =	sadd.s32 @!p0 $0x100000, s0  }
0xb0: {  	[sflag:s0] =	ssyncadd.tile.s32 @!p0 $0x1;
	_ =	shalt  }
.Lfunc_end2:
_tile_overlayer_lowered:
.L_overlay_start_2:
0xb1: {  	(tag) =	ssettag $0x2  }
0xb2: {  	s0 =	rddreg [dreg:$0x0];
	s2 =	stileid.u32  }
0xb3: {  	s1 =	rddreg [dreg:$0x1];
	p0 =	sne.s32 s2, $0x0  }
0xb4: {  	s3 =	rddreg [dreg:$0x2];
	[bflag:$0x3] =	sbarrier.arrive $0xFFFF;
	s2 =	simm.s32 @!p0 $0x1C07  }
0xb5: {  	[timem:s3], [sflag:s2] =	dma.local @!p0 [hbm:s0], s1  }
0xb6: {  	s0 =	simm.s32 @!p0 $0x7  }
0xb7: {  	_ =	swait.ge @!p0 [sflag:s0], s1  }
0xb8: {  	s1 =	ssub.s32 @!p0 $0x0, s1;
	[sflag:s0] =	ssyncset.done @!p0 $0x0  }
0xb9: {  	[sflag:s0] =	ssyncadd.s32 @!p0 s1  }
0xba: {  	[bflag:$0x3] =	sbarrier.arrive $0xFFFF  }
0xbb: {  	_ =	shalt  }

// kernel: sparse-core-data-format-call.cloned.1.call-start
scs
called_computation_lowered:
.L_overlay_start_0:
0x0: {  	s2 =	sld [smem:$0x3FD9]  }
0x1: {  	s3 =	sld [smem:$0x3FFE];
	_ =	sdelay $0x1  }
0x2: {  	s1 =	srdreg.scid  }
0x3: {  	s0 =	sand.u32 $0x1, s1  }
0x4: {  	s18 =	sshll.u32 s0, $0xA;
	s2 =	sadd.s32 s3, s2  }
0x5: {  	s2 =	sadd.s32 s2, s18  }
0x6: {  	[smem:$0x3FC6] =	sst s2  }
0x7: {  	_ = 	snop  }
0x8: {  	s2 =	sld [smem:$0x3FD0];
	(tm) =	ssettm $0x1  }
0x9: {  	s19 =	sld [smem:$0x3FFB];
	_ =	sdelay $0x3  }
0xa: {  	_ =	strace s19  }
0xb: {  	s3 =	sld [smem:$0x3FFC];
	_ =	sdelay $0x3  }
0xc: {  	_ =	strace s3  }
0xd: {  	s3 =	sld [smem:$0x3FFD];
	_ =	sdelay $0x3  }
0xe: {  	_ =	strace s3  }
0xf: {  	_ =	strace $0x8FFFFFFF  }
0x10: {  	s20 =	sld [smem:$0x3FDB];
	_ =	sdelay $0x1  }
0x11: {  	s4 =	simm.s32 $_scs_section_size  }
0x12: {  	s5 =	simm.s32 $_size__tile_overlayer_lowered;
	s6 =	simm.s32 $_tile_overlayer_lowered  }
0x13: {  	s23 =	simm.s32 $0x1BFF;
	s22 =	sshll.u32 s6, $0x1;
	s3 =	sadd.s32 s4, s20  }
0x14: {  	s7 =	simm.s32 $0x0;
	s21 =	sshll.u32 s5, $0x1;
	s5 =	sadd.s32 s22, s3  }
0x15: {  	[timem:s7], [sflag:s23] =	dma.local [hbm:s5], s21  }
0x16: {  	_ =	swait.ge [sflag:s23], s21  }
0x17: {  	s4 =	ssub.s32 $0x0, s21;
	[sflag:s23] =	ssyncset.done $0x0  }
0x18: {  	[sflag:s23] =	ssyncadd.s32 s4;
	_ =	sdelay $0x1  }
0x19: {  	s24 =	simm.s32 $0x1B8B  }
0x1a: {  	_ =	swait.ge [sflag:s24], $0x1  }
0x1b: {  	[sflag:s24] =	ssyncset.done $0x0  }
0x1c: {  	s26 =	simm.s32 $0x1B8E;
	s25 =	sld [smem:$0x3FFE];
	[sflag:s24] =	ssyncadd.s32 $0xFFFFFFFF  }
0x1d: {  	s27 =	simm.s32 $execute0_lowered;
	[smem:$0x3FD2] =	sst s26  }
0x1e: {  	s5 =	sshll.u32 s27, $0x1;
	_ =	strace $0x80000049;
	[dreg:$0x1] =	wrdreg $0xFFFFFFFF  }
0x1f: {  	s28 =	simm.s32 $_size_execute0_lowered;
	s3 =	sadd.s32 s3, s5;
	[dreg:$0x0] =	wrdreg $0x0  }
0x20: {  	s5 =	sshll.u32 s28, $0x1;
	[dreg:$0x2] =	wrdreg s3  }
0x21: {  	[dreg:$0x3] =	wrdreg s5  }
0x22: {  	[dreg:$0x4] =	wrdreg $0xC0  }
0x23: {  	_ =	task [dreg:s7], $0x5FFFF  }
0x24: {  	[dreg:$0x1] =	wrdreg $0xFFFFFFFF  }
0x25: {  	[dreg:$0x0] =	wrdreg $0x60  }
0x26: {  	[dreg:$0x2] =	wrdreg s25  }
0x27: {  	[dreg:$0x3] =	wrdreg s2  }
0x28: {  	[dreg:$0x4] =	wrdreg $0x9  }
0x29: {  	_ =	task.clear_ibuf [dreg:s7], $0x5FFFF;
	_ =	strace $0x90000049  }
0x2a: {  	s29 =	simm.s32 $0x9;
	_ =	strace $0x8000004B  }
0x2b: {  	_ =	swait.ge [sflag:s29], $0x1  }
0x2c: {  	[sflag:s29] =	ssyncadd.s32 $0xFFFFFFFF  }
0x2d: {  	_ =	strace $0x9000004B  }
0x2e: {  	_ =	sfence  }
0x2f: {  	s30 =	sld [smem:$0x0];
	_ =	sdelay $0x2  }
0x30: {  	s31 =	sshll.u32 s1, $0xD;
	s1 =	sshrl.u32 s1, $0x2  }
0x31: {  	s3 =	sand.u32 $0x4000, s31;
	s1 =	sadd.s32 s1, s30  }
0x32: {  	s0 =	sor.u32 s3, s0;
	s1 =	sshll.u32 s1, $0x11  }
0x33: {  	s0 =	sor.u32 s1, s0  }
0x34: {  	s0 =	sadd.s32 $0x8F2B, s0  }
0x35: {  	[sflag:s0] =	ssyncadd.remote.s32 $0x1  }
0x36: {  	_ =	sfence.sel $0xFFFF  }
0x37: {  	[dreg:$0x0] =	wrdreg $0xFFFFFFFF;
	(pc) =	sbr.abs _section_cstart, $3  }
0x38: {  	[dreg:$0x1] =	wrdreg $0xFFFFFFFF  }
0x39: {  	_ =	task.clear_ibuf [dreg:s7], $0x2FFFF;
	_ =	strace $0x9FFFFFFF  }
0x3a: {  	(tm) =	ssettm $0x7FFFFFFF  }
0x3b: {  	_ =	shalt  }
tec
execute0_lowered:
.L_overlay_start_1:
0x0: {  	(tag) =	ssettag $0x1  }
0x1: {  	s0 =	srdreg.scid  }
0x2: {  	s1 =	sshll.u32 s0, $0x4  }
0x3: {  	s4 =	rddreg [dreg:$0x0];
	s0 =	stileid.u32;
	s1 =	sand.u32 $0x10, s1  }
0x4: {  	s2 =	rddreg [dreg:$0x1];
	s7 =	simm.s32 $0x1;
	s1 =	sor.u32 s0, s1  }
0x5: {  	s8 =	simm.s32 $0x2;
	s11 =	simm.s32 $0x0;
	s3 =	sshll.u32 s1, $0x1  }
0x6: {  	s10 =	simm.s32 $0x0;
	s4 =	sadd.s32 $0x800, s4;
	s6 =	ssub.s32 $0xD00, s3  }
.Ltmp0:
0x7: {  	s1 =	rddreg [dreg:$0x2];
	s5 =	sand.u32 $0x3E, s6;
	(pc) =	sbr.rel .LBB1_1-.Ltmp0, $4  }
0x8: {  	_ =	strace $0x8000004A;
	s9 =	smov.u32 s3;
	p0 =	sne.s32 s5, $0x0  }
0x9: {  	s6 =	sshrl.u32 s6, $0x6;
	s5 =	simm.s32 $0x1;
	s7 =	simm.s32 @!p0 $0x0  }
0xa: {  	[sflag:s5] =	ssyncpa.u1 $0x0;
	p0 =	por $0x0, $0x0;
	s6 =	sadd.s32 s7, s6  }
0xb: {  	[sflag:s8] =	ssyncpa.u1 $0x0;
	s8 =	simm.s32 $0x0;
	s7 =	sadd.s32 $0x1, s6  }
.LBB1_7:
0xc: {  	s13 =	sadd.s32 $0x40, s9  }
0xd: {  	p2 =	sgt.s32 s13, $0xCFF  }
0xe: {  	s13 =	smov.u32 @p2 s3;
	p2 =	sne.s32 s10, s7  }
.Ltmp1:
0xf: {  	p1 =	slt.u32 s10, $0x2;
	(pc) =	sbr.rel @!p2 .LBB1_8-.Ltmp1, $4  }
0x10: {  	s12 =	simm.s32 @!p1 $0x2  }
0x11: {  	s14 =	sadd.s32 $0x1, s10;
	_ =	swait.ge @!p1 [sflag:s12], $0x4000  }
0x12: {  	s11 =	smov.u32 s9;
	p0 =	por !p0, !p0;
	[sflag:s12] =	ssyncset.done @!p1 $0x0  }
0x13: {  	s10 =	smov.u32 s14;
	s9 =	smov.u32 s13;
	[sflag:s12] =	ssyncadd.s32 @!p1 $0xFFFFC000  }
.LBB1_1:
0x14: {  	p1 =	sge.u32 s10, s6  }
0x15: {  	s31 =	sadd.s32 $0xFFFFFFFF, s10;
	s12 =	sxor.u32 @!p1 $0xFFFFFFFF, s10  }
0x16: {  	s13 =	sshll.u32 @!p1 s9, $0xB;
	s14 =	simm.s32 @!p1 $0x40;
	s12 =	sshll.u32 @!p1 s12, $0xE  }
0x17: {  	s15 =	simm.s32 @!p1 $0x80;
	s13 =	sadd.s32 @!p1 s4, s13;
	s12 =	sand.u32 @!p1 $0x4000, s12  }
0x18: {  	[tilespmem:s12], [sflag:$0x1] =	stream.strided.gather @!p1 [hbm4b:s13+s14], $0x4000, s15, s14, $0x38;
	[tilespmem:$0x10100] =	vst v63  }
0x19: {  	p1 =	sge.u32 s31, s6  }
.Ltmp2:
0x1a: {  	_ = 	snop;
	(pc) =	sbr.rel @p1 .LBB1_7-.Ltmp2, $1  }
0x1b: {  	_ =	sdelay $0x3  }
0x1c: {  	s12 =	simm.s32 $0x1;
	s14 =	sand.u32 $0x1, s10  }
0x1d: {  	_ =	swait.ge [sflag:s5], $0x4000;
	s12 =	simm.s32 @!p0 $0x0;
	s14 =	smul.u32 $0x10200, s14  }
0x1e: {  	p2 =	por $0x1, $0x1;
	[sflag:s5] =	ssyncset.done $0x0;
	s13 =	smul.u32 $0x10200, s12  }
0x1f: {  	s15 =	sshll.u32 s12, $0x10;
	[sflag:s5] =	ssyncadd.s32 $0xFFFFC000;
	s30 =	sshrl.u32 s14, $0x2  }
0x20: {  	s31 =	sshrl.u32 s15, $0x2;
	s15 =	simm.s32 $0x0;
	s13 =	sshrl.u32 s13, $0x2  }
0x21: {  	s12 =	sor.u32 $0x8000, s30;
	s14 =	sadd.s32 $0x20, s31;
	s13 =	sor.u32 $0x8000, s13  }
.LBB1_3:
0x22: {  	s16 =	sshll.u32 s15, $0xD  }
0x23: {  	s16 =	sand.u32 $0x3FFFE000, s16  }
0x24: {  	s18 =	sadd.s32 s16, s14  }
0x25: {  	s31 =	smul.u32 $0x8100, s15;
	v3 =	vld [tilespmem:s18+$0x10]  }
0x26: {  	v1 =	vld [tilespmem:s18+$0xFFFFFFF0]  }
0x27: {  	s15 =	sshra.s32 s31, $0x2;
	v0 =	vld [tilespmem:s18+$0x0]  }
0x28: {  	s15 =	sadd.s32 s15, s13;
	v2 =	vld [tilespmem:s18+$0xFFFFFFE0]  }
0x29: {  	s16 =	sadd.s32 $0x0, s15  }
0x2a: {  	p1 =	por p2, p2;
	s17 =	simm.s32 $0x4;
	s18 =	sadd.s32 $0x40, s18;
	[tilespmem:s16+$0x1830 ss:$0x81] =	vst.msk $0xffff, v3  }
.LBB1_4:
0x2b: {  	v3 =	vld [tilespmem:s18+$0x10];
	p2 =	sne.s32 s17, $0x1FC;
	[tilespmem:s16+$0x810 ss:$0x81] =	vst.msk $0xffff, v1;
	s19 =	smov.u32 s17;
	s17 =	sadd.s32 $0x4, s17  }
.Ltmp3:
0x2c: {  	v1 =	vld [tilespmem:s18+$0xFFFFFFF0];
	[tilespmem:s16+$0x1020 ss:$0x81] =	vst.msk $0xffff, v0;
	(pc) =	sbr.rel @p2 .LBB1_4-.Ltmp3, $4  }
0x2d: {  	v0 =	vld [tilespmem:s18+$0x0];
	[tilespmem:s16+$0x0 ss:$0x81] =	vst.msk $0xffff, v2  }
0x2e: {  	s16 =	sshra.s32 s19, $0x2;
	v2 =	vld [tilespmem:s18+$0xFFFFFFE0]  }
0x2f: {  	s16 =	sadd.s32 s16, s15  }
0x30: {  	s18 =	sadd.s32 $0x40, s18;
	[tilespmem:s16+$0x1830 ss:$0x81] =	vst.msk $0xffff, v3  }
.Ltmp4:
0x31: {  	(pc) =	sbr.rel @p1 .LBB1_3-.Ltmp4, $4  }
0x32: {  	_ = 	snop  }
0x33: {  	[tilespmem:s16+$0x810 ss:$0x81] =	vst.msk $0xffff, v1  }
0x34: {  	[tilespmem:s16+$0x1020 ss:$0x81] =	vst.msk $0xffff, v0  }
0x35: {  	s15 =	simm.s32 $0x1;
	p2 =	por $0x0, $0x0;
	[tilespmem:s16+$0x0 ss:$0x81] =	vst.msk $0xffff, v2  }
.Ltmp5:
0x36: {  	(pc) =	sbr.rel .LBB1_7-.Ltmp5, $4  }
0x37: {  	_ = 	snop  }
0x38: {  	s11 =	sshll.u32 s11, $0xA  }
0x39: {  	s11 =	sadd.s32 s2, s11  }
0x3a: {  	[hbm4b:s11+s8] =	stream.linear.scatter [tilespmem:s12], [sflag:$0x2], $0x4000, $0x20;
	[tilespmem:$0x10100] =	vst v63  }
.LBB1_8:
0x3b: {  	_ =	sfence.sel $0x180000  }
0x3c: {  	s2 =	simm.s32 $0x1;
	[bflag:$0x0] =	sbarrier.arrive $0xFFFF  }
0x3d: {  	s31 =	simm.s32 $0x2;
	[sflag:s2] =	ssyncpa.u1 $0x1  }
0x3e: {  	[sflag:s31] =	ssyncpa.u1 $0x1  }
0x3f: {  	p0 =	sne.s32 s0, $0x0;
	_ =	strace $0x9000004A  }
0x40: {  	s0 =	sadd.s32 @!p0 $0x100000, s1;
	[bflag:$0x2] =	sbarrier.arrive $0xFFFF  }
0x41: {  	[sflag:s0] =	ssyncadd.tile.s32 @!p0 $0x1;
	_ =	shalt  }
.Lfunc_end1:
_tile_overlayer_lowered:
.L_overlay_start_2:
0x42: {  	(tag) =	ssettag $0x2  }
0x43: {  	s0 =	rddreg [dreg:$0x0];
	s2 =	stileid.u32  }
0x44: {  	s1 =	rddreg [dreg:$0x1];
	p0 =	sne.s32 s2, $0x0  }
0x45: {  	s3 =	rddreg [dreg:$0x2];
	[bflag:$0x3] =	sbarrier.arrive $0xFFFF;
	s2 =	simm.s32 @!p0 $0x1C01  }
0x46: {  	[timem:s3], [sflag:s2] =	dma.local @!p0 [hbm:s0], s1  }
0x47: {  	s0 =	simm.s32 @!p0 $0x1  }
0x48: {  	_ =	swait.ge @!p0 [sflag:s0], s1  }
0x49: {  	s1 =	ssub.s32 @!p0 $0x0, s1;
	[sflag:s0] =	ssyncset.done @!p0 $0x0  }
0x4a: {  	[sflag:s0] =	ssyncadd.s32 @!p0 s1  }
0x4b: {  	[bflag:$0x3] =	sbarrier.arrive $0xFFFF  }
0x4c: {  	_ =	shalt  }

</sc_bundles>
